<compile_context>
chip_gen: v7x
topology: tpu7x:2x2x1
jax: 0.10.2.dev20260603
libtpu: 0.0.44.dev20260713+nightly
codegen_flags: <defaults>
</compile_context>

<pallas_src>
import functools

import jax
import jax.numpy as jnp
from jax import lax
from jax.experimental import pallas as pl
from jax.experimental.pallas import tpu as pltpu
from jax.experimental.pallas import tpu_sc as plsc

IOU_THR = 0.5


def _make_nms_body(B: int, nb: int):

    def body(rows_ref, cols_ref, keep_ref):
        def process_block(bi, _):
            base = bi * B
            x1c = jnp.broadcast_to(cols_ref[pl.ds(base, B), 0:1], (B, B))
            y1c = jnp.broadcast_to(cols_ref[pl.ds(base, B), 1:2], (B, B))
            x2c = jnp.broadcast_to(cols_ref[pl.ds(base, B), 2:3], (B, B))
            y2c = jnp.broadcast_to(cols_ref[pl.ds(base, B), 3:4], (B, B))
            areac = (x2c - x1c) * (y2c - y1c)

            def over_tile(bj_start):
                x1r = rows_ref[0:1, pl.ds(bj_start, B)]
                y1r = rows_ref[1:2, pl.ds(bj_start, B)]
                x2r = rows_ref[2:3, pl.ds(bj_start, B)]
                y2r = rows_ref[3:4, pl.ds(bj_start, B)]
                arear = (x2r - x1r) * (y2r - y1r)
                w = jnp.maximum(
                    jnp.minimum(x2c, x2r) - jnp.maximum(x1c, x1r), 0.0)
                h = jnp.maximum(
                    jnp.minimum(y2c, y2r) - jnp.maximum(y1c, y1r), 0.0)
                inter = w * h
                union = areac + arear - inter
                iou = inter / (union + 1e-8)
                return (iou > IOU_THR).astype(jnp.float32)

            def cross(bj, supp):
                over = over_tile(bj * B)
                kprev = keep_ref[pl.ds(bj * B, B), 0:1]
                return supp + lax.dot_general(
                    over, kprev, (((1,), (0,)), ((), ())),
                    preferred_element_type=jnp.float32)

            supp = lax.fori_loop(0, bi, cross, jnp.zeros((B, 1), jnp.float32))
            active = (supp < 0.5).astype(jnp.float32)

            over_d = over_tile(base)
            ri = lax.broadcasted_iota(jnp.int32, (B, B), 0)
            ci = lax.broadcasted_iota(jnp.int32, (B, B), 1)
            tri = over_d * (ci < ri).astype(jnp.float32)

            def cond(c):
                it, _, changed = c
                return jnp.logical_and(changed, it < B)

            def sweep(c):
                it, keep, _ = c
                s = lax.dot_general(
                    tri, keep, (((1,), (0,)), ((), ())),
                    preferred_element_type=jnp.float32)
                new = jnp.where(s > 0.5, 0.0, active)
                return it + 1, new, jnp.any(new != keep)

            _, keep_blk, _ = lax.while_loop(
                cond, sweep, (jnp.int32(0), active, jnp.bool_(True)))
            keep_ref[pl.ds(base, B), 0:1] = keep_blk
            return 0

        lax.fori_loop(0, nb, process_block, 0)

    return body


def _make_sc_scatter(npad: int):
    nsub = 16
    chunk = npad // nsub
    R = chunk // 128
    mesh = plsc.VectorSubcoreMesh(
        core_axis_name="c", subcore_axis_name="s", num_cores=2)

    @functools.partial(
        pl.kernel,
        mesh=mesh,
        out_type=[
            jax.ShapeDtypeStruct((npad,), jnp.float32),
            jax.ShapeDtypeStruct((npad,), jnp.float32),
        ],
        scratch_types=[
            pltpu.VMEM((R, 128), jnp.int32),
            pltpu.VMEM((R, 128), jnp.float32),
            pltpu.VMEM_SHARED((npad,), jnp.float32),
            pltpu.VMEM((chunk,), jnp.float32),
            pltpu.VMEM((chunk,), jnp.float32),
            pltpu.VMEM((chunk,), jnp.float32),
        ],
    )
    def scat(order_hbm, keeps_hbm, scores_hbm, keep_out, ks_out,
             idx_v, val_v, shared, kc_v, sc_v, prod_v):
        cid = lax.axis_index("c")
        sid = lax.axis_index("s")

        @pl.when(cid == 0)
        def _():
            base = sid * chunk
            pltpu.sync_copy(order_hbm.at[sid], idx_v)
            pltpu.sync_copy(keeps_hbm.at[sid], val_v)
            for j in range(R):
                pltpu.sync_copy(val_v.at[j], shared.at[idx_v.at[j]])
            plsc.subcore_barrier()
            pltpu.sync_copy(shared.at[pl.ds(base, chunk)], kc_v)
            pltpu.sync_copy(scores_hbm.at[pl.ds(base, chunk)], sc_v)

            def mul(i, _):
                o = i * 16
                prod_v[pl.ds(o, 16)] = kc_v[pl.ds(o, 16)] * sc_v[pl.ds(o, 16)]
                return 0

            lax.fori_loop(0, chunk // 16, mul, 0)
            pltpu.sync_copy(kc_v, keep_out.at[pl.ds(base, chunk)])
            pltpu.sync_copy(prod_v, ks_out.at[pl.ds(base, chunk)])

    return scat


@jax.jit
def kernel(boxes, scores):
    n = boxes.shape[0]
    B = 1024
    nb = -(-n // B)
    npad = nb * B

    scores_p = jnp.concatenate(
        [scores, jnp.full((npad - n,), -1.0, scores.dtype)])
    boxes_p = jnp.concatenate(
        [boxes, jnp.zeros((npad - n, 4), boxes.dtype)])

    _, x1s, y1s, x2s, y2s, order = lax.sort(
        (-scores_p, boxes_p[:, 0], boxes_p[:, 1], boxes_p[:, 2],
         boxes_p[:, 3], jnp.arange(npad, dtype=jnp.int32)),
        num_keys=1)

    rows = jnp.zeros((8, npad), jnp.float32)
    rows = rows.at[0].set(x1s).at[1].set(y1s).at[2].set(x2s).at[3].set(y2s)
    sboxes = jnp.stack([x1s, y1s, x2s, y2s], axis=1)

    keep_s = pl.pallas_call(
        _make_nms_body(B, nb),
        out_shape=jax.ShapeDtypeStruct((npad, 1), jnp.float32),
    )(rows, sboxes)

    scat = _make_sc_scatter(npad)
    keep_f, ks_f = scat(
        order.reshape(16, -1, 128),
        keep_s.reshape(16, -1, 128),
        scores_p)
    keep = keep_f[:n] > 0.5
    kept_scores = ks_f[:n]
    return keep, kept_scores

# --- scband reference (transcript-rebuilt; emitter-appended) ---
"""Pipeline reference for scband-veritas-od-46213848105665 (READ-ONLY COPY).

The authoritative reference and input builder live on the scoring server;
editing this copy changes nothing except your own understanding.
"""

import jax, jax.numpy as jnp
import numpy as np

IOU_THRESHOLD = 0.5
N = 20000


def setup_inputs(seed: int = 0) -> dict:
    key = jax.random.key(seed)
    k1, k2, k3 = jax.random.split(key, 3)
    # valid xyxy boxes: top-left corner + positive width/height
    xy = jax.random.uniform(k1, (N, 2), dtype=jnp.float32) * 1000.0
    wh = jax.random.uniform(k2, (N, 2), dtype=jnp.float32) * 50.0 + 1.0
    boxes = jnp.concatenate([xy, xy + wh], axis=1)
    scores = jax.random.uniform(k3, (N,), dtype=jnp.float32)
    return {"boxes": boxes, "scores": scores}


def _iou_one_vs_all(box, boxes):
    # faithful translation of bbox_iou for a single query box vs all boxes
    area1 = (box[2] - box[0]) * (box[3] - box[1])
    area2 = (boxes[:, 2] - boxes[:, 0]) * (boxes[:, 3] - boxes[:, 1])
    lt = jnp.maximum(box[:2], boxes[:, :2])
    rb = jnp.minimum(box[2:], boxes[:, 2:])
    wh = jnp.clip(rb - lt, 0.0)
    inter = wh[:, 0] * wh[:, 1]
    union = area1 + area2 - inter
    return inter / (union + 1e-08)


def _nms_keep_mask(boxes, scores, iou_threshold):
    # greedy NMS: sort by score desc; a box is suppressed iff some
    # higher-scoring KEPT box overlaps it above the threshold.
    n = boxes.shape[0]
    order = jnp.argsort(-scores)
    sboxes = boxes[order]
    idxs = jnp.arange(n)

    def body(i, keep):
        ious = _iou_one_vs_all(sboxes[i], sboxes)
        suppressed = jnp.any(keep & (ious > iou_threshold) & (idxs < i))
        return keep.at[i].set(jnp.logical_not(suppressed))

    keep_sorted = jax.lax.fori_loop(0, n, body, jnp.zeros((n,), dtype=bool))
    # scatter back to original index order (torch nms returns kept indices;
    # static-shape jax equivalent is a boolean keep mask over original order)
    keep_orig = jnp.zeros((n,), dtype=bool).at[order].set(keep_sorted)
    return keep_orig


def reference(boxes, scores):
    keep = _nms_keep_mask(boxes, scores, IOU_THRESHOLD)
    kept_scores = scores * keep.astype(scores.dtype)
    return keep, kept_scores

if __name__ == "__main__":
    import jax
    _d = setup_inputs()
    print(jax.jit(kernel)(*tuple(_d.values())))

</pallas_src>

<mosaic_0001>
#map = affine_map<(d0, d1) -> (0, 0, 0)>
#map1 = affine_map<(d0, d1) -> (0)>
module attributes {stable_mosaic.version = 14 : i64} {
  func.func @scat(%arg0: i32, %arg1: i32, %arg2: memref<16x10x128xi32, #tpu.memory_space<hbm>>, %arg3: memref<16x10x128xf32, #tpu.memory_space<hbm>>, %arg4: memref<20480xf32, #tpu.memory_space<hbm>>, %arg5: memref<20480xf32, #tpu.memory_space<hbm>>, %arg6: memref<20480xf32, #tpu.memory_space<hbm>>, %arg7: memref<10x128xi32, #tpu.memory_space<vmem>>, %arg8: memref<10x128xf32, #tpu.memory_space<vmem>>, %arg9: memref<20480xf32, #tpu.memory_space<vmem_shared>>, %arg10: memref<1280xf32, #tpu.memory_space<vmem>>, %arg11: memref<1280xf32, #tpu.memory_space<vmem>>, %arg12: memref<1280xf32, #tpu.memory_space<vmem>>) attributes {dimension_semantics = [#tpu.dimension_semantics<core_parallel>, #tpu.dimension_semantics<subcore_parallel>], iteration_bounds = array<i64: 2, 16>, scalar_prefetch = 0 : i64, scratch_operands = 6 : i64, tpu.core_type = #tpu.core_type<sc_vector_subcore>, window_params = [{transform_indices = #map}, {transform_indices = #map}, {transform_indices = #map1}, {transform_indices = #map1}, {transform_indices = #map1}]} {
    %eq3A = arith.constant 0 : i32
    %eq3A_0 = arith.cmpi eq, %arg0, %eq3A : i32
    %convert_element_type3A = arith.extui %eq3A_0 : i1 to i32
    %cond3A = arith.constant 0 : i32
    %cond3A_1 = arith.cmpi ne, %convert_element_type3A, %cond3A : i32
    scf.if %cond3A_1 {
      %mul3A = arith.constant 1280 : i32
      %mul3A_2 = arith.muli %arg1, %mul3A : i32
      "tpu.region"() ({
        %run_scoped3A_28 = tpu.sem_alloc : memref<!tpu.dma_semaphore, #tpu.memory_space<semaphore_mem>>
        %dma_start3A = arith.constant 0 : i32
        %dma_start3A_29 = arith.constant 0 : i32
        %dma_start3A_30 = tpu.memref_slice %arg2[%arg1, %dma_start3A, %dma_start3A_29] : memref<16x10x128xi32, #tpu.memory_space<hbm>> -> memref<1x10x128xi32, #tpu.memory_space<hbm>>
        %dma_start3A_31 = tpu.memref_squeeze %dma_start3A_30 : memref<1x10x128xi32, #tpu.memory_space<hbm>> -> memref<10x128xi32, #tpu.memory_space<hbm>>
        %dma_start3A_32 = arith.constant 0 : i32
        %dma_start3A_33 = arith.constant 0 : i32
        %dma_start3A_34 = tpu.memref_slice %arg2[%arg1, %dma_start3A_32, %dma_start3A_33] : memref<16x10x128xi32, #tpu.memory_space<hbm>> -> memref<1x10x128xi32, #tpu.memory_space<hbm>>
        %dma_start3A_35 = tpu.memref_squeeze %dma_start3A_34 : memref<1x10x128xi32, #tpu.memory_space<hbm>> -> memref<10x128xi32, #tpu.memory_space<hbm>>
        tpu.enqueue_dma source(%dma_start3A_35 : memref<10x128xi32, #tpu.memory_space<hbm>>) target(%arg7 : memref<10x128xi32, #tpu.memory_space<vmem>>) target_semaphore(%run_scoped3A_28 : memref<!tpu.dma_semaphore, #tpu.memory_space<semaphore_mem>>)
        %dma_wait3A = arith.constant 0 : i32
        %dma_wait3A_36 = arith.constant 0 : i32
        %dma_wait3A_37 = tpu.memref_slice %arg2[%arg1, %dma_wait3A, %dma_wait3A_36] : memref<16x10x128xi32, #tpu.memory_space<hbm>> -> memref<1x10x128xi32, #tpu.memory_space<hbm>>
        %dma_wait3A_38 = tpu.memref_squeeze %dma_wait3A_37 : memref<1x10x128xi32, #tpu.memory_space<hbm>> -> memref<10x128xi32, #tpu.memory_space<hbm>>
        %dma_wait3A_39 = arith.constant 0 : i32
        %dma_wait3A_40 = arith.constant 0 : i32
        %dma_wait3A_41 = tpu.memref_slice %arg2[%arg1, %dma_wait3A_39, %dma_wait3A_40] : memref<16x10x128xi32, #tpu.memory_space<hbm>> -> memref<1x10x128xi32, #tpu.memory_space<hbm>>
        %dma_wait3A_42 = tpu.memref_squeeze %dma_wait3A_41 : memref<1x10x128xi32, #tpu.memory_space<hbm>> -> memref<10x128xi32, #tpu.memory_space<hbm>>
        tpu.wait_dma2 semaphore(%run_scoped3A_28 : memref<!tpu.dma_semaphore, #tpu.memory_space<semaphore_mem>>) src(%dma_wait3A_42 : memref<10x128xi32, #tpu.memory_space<hbm>>) dst(%arg7 : memref<10x128xi32, #tpu.memory_space<vmem>>)
        tpu.yield
      }) : () -> ()
      "tpu.region"() ({
        %run_scoped3A_28 = tpu.sem_alloc : memref<!tpu.dma_semaphore, #tpu.memory_space<semaphore_mem>>
        %dma_start3A = arith.constant 0 : i32
        %dma_start3A_29 = arith.constant 0 : i32
        %dma_start3A_30 = tpu.memref_slice %arg3[%arg1, %dma_start3A, %dma_start3A_29] : memref<16x10x128xf32, #tpu.memory_space<hbm>> -> memref<1x10x128xf32, #tpu.memory_space<hbm>>
        %dma_start3A_31 = tpu.memref_squeeze %dma_start3A_30 : memref<1x10x128xf32, #tpu.memory_space<hbm>> -> memref<10x128xf32, #tpu.memory_space<hbm>>
        %dma_start3A_32 = arith.constant 0 : i32
        %dma_start3A_33 = arith.constant 0 : i32
        %dma_start3A_34 = tpu.memref_slice %arg3[%arg1, %dma_start3A_32, %dma_start3A_33] : memref<16x10x128xf32, #tpu.memory_space<hbm>> -> memref<1x10x128xf32, #tpu.memory_space<hbm>>
        %dma_start3A_35 = tpu.memref_squeeze %dma_start3A_34 : memref<1x10x128xf32, #tpu.memory_space<hbm>> -> memref<10x128xf32, #tpu.memory_space<hbm>>
        tpu.enqueue_dma source(%dma_start3A_35 : memref<10x128xf32, #tpu.memory_space<hbm>>) target(%arg8 : memref<10x128xf32, #tpu.memory_space<vmem>>) target_semaphore(%run_scoped3A_28 : memref<!tpu.dma_semaphore, #tpu.memory_space<semaphore_mem>>)
        %dma_wait3A = arith.constant 0 : i32
        %dma_wait3A_36 = arith.constant 0 : i32
        %dma_wait3A_37 = tpu.memref_slice %arg3[%arg1, %dma_wait3A, %dma_wait3A_36] : memref<16x10x128xf32, #tpu.memory_space<hbm>> -> memref<1x10x128xf32, #tpu.memory_space<hbm>>
        %dma_wait3A_38 = tpu.memref_squeeze %dma_wait3A_37 : memref<1x10x128xf32, #tpu.memory_space<hbm>> -> memref<10x128xf32, #tpu.memory_space<hbm>>
        %dma_wait3A_39 = arith.constant 0 : i32
        %dma_wait3A_40 = arith.constant 0 : i32
        %dma_wait3A_41 = tpu.memref_slice %arg3[%arg1, %dma_wait3A_39, %dma_wait3A_40] : memref<16x10x128xf32, #tpu.memory_space<hbm>> -> memref<1x10x128xf32, #tpu.memory_space<hbm>>
        %dma_wait3A_42 = tpu.memref_squeeze %dma_wait3A_41 : memref<1x10x128xf32, #tpu.memory_space<hbm>> -> memref<10x128xf32, #tpu.memory_space<hbm>>
        tpu.wait_dma2 semaphore(%run_scoped3A_28 : memref<!tpu.dma_semaphore, #tpu.memory_space<semaphore_mem>>) src(%dma_wait3A_42 : memref<10x128xf32, #tpu.memory_space<hbm>>) dst(%arg8 : memref<10x128xf32, #tpu.memory_space<vmem>>)
        tpu.yield
      }) : () -> ()
      %run_scoped3A = arith.constant 0 : i32
      %run_scoped3A_3 = arith.constant 0 : i32
      "tpu.region"() ({
        %run_scoped3A_28 = tpu.sem_alloc : memref<!tpu.dma_semaphore, #tpu.memory_space<semaphore_mem>>
        %dma_start3A = arith.constant 0 : i32
        %dma_start3A_29 = tpu.memref_slice %arg8[%run_scoped3A, %dma_start3A] : memref<10x128xf32, #tpu.memory_space<vmem>> -> memref<1x128xf32, #tpu.memory_space<vmem>>
        %dma_start3A_30 = tpu.memref_squeeze %dma_start3A_29 : memref<1x128xf32, #tpu.memory_space<vmem>> -> memref<128xf32, #tpu.memory_space<vmem>>
        %dma_start3A_31 = arith.constant 0 : i32
        %dma_start3A_32 = tpu.memref_slice %arg7[%run_scoped3A_3, %dma_start3A_31] : memref<10x128xi32, #tpu.memory_space<vmem>> -> memref<1x128xi32, #tpu.memory_space<vmem>>
        %dma_start3A_33 = tpu.memref_squeeze %dma_start3A_32 : memref<1x128xi32, #tpu.memory_space<vmem>> -> memref<128xi32, #tpu.memory_space<vmem>>
        %dma_start3A_34 = arith.constant 0 : i32
        %dma_start3A_35 = tpu.memref_slice %arg9[%dma_start3A_34] : memref<20480xf32, #tpu.memory_space<vmem_shared>> -> memref<20480xf32, #tpu.memory_space<vmem_shared>>
        tpu.enqueue_indirect_dma source(%dma_start3A_30 : memref<128xf32, #tpu.memory_space<vmem>>) target(%dma_start3A_35 : memref<20480xf32, #tpu.memory_space<vmem_shared>>) offsets(%dma_start3A_33 : memref<128xi32, #tpu.memory_space<vmem>>) semaphore(%run_scoped3A_28 : memref<!tpu.dma_semaphore, #tpu.memory_space<semaphore_mem>>)
        %dma_wait3A = arith.constant 0 : i32
        %dma_wait3A_36 = tpu.memref_slice %arg8[%run_scoped3A, %dma_wait3A] : memref<10x128xf32, #tpu.memory_space<vmem>> -> memref<1x128xf32, #tpu.memory_space<vmem>>
        %dma_wait3A_37 = tpu.memref_squeeze %dma_wait3A_36 : memref<1x128xf32, #tpu.memory_space<vmem>> -> memref<128xf32, #tpu.memory_space<vmem>>
        %dma_wait3A_38 = arith.constant 0 : i32
        %dma_wait3A_39 = tpu.memref_slice %arg7[%run_scoped3A_3, %dma_wait3A_38] : memref<10x128xi32, #tpu.memory_space<vmem>> -> memref<1x128xi32, #tpu.memory_space<vmem>>
        %dma_wait3A_40 = tpu.memref_squeeze %dma_wait3A_39 : memref<1x128xi32, #tpu.memory_space<vmem>> -> memref<128xi32, #tpu.memory_space<vmem>>
        %dma_wait3A_41 = arith.constant 0 : i32
        %dma_wait3A_42 = tpu.memref_slice %arg9[%dma_wait3A_41] : memref<20480xf32, #tpu.memory_space<vmem_shared>> -> memref<20480xf32, #tpu.memory_space<vmem_shared>>
        tpu.wait_indirect_dma semaphore(%run_scoped3A_28 : memref<!tpu.dma_semaphore, #tpu.memory_space<semaphore_mem>>) src(%dma_wait3A_37 : memref<128xf32, #tpu.memory_space<vmem>>) dst(%dma_wait3A_42 : memref<20480xf32, #tpu.memory_space<vmem_shared>>)
        tpu.yield
      }) : () -> ()
      %run_scoped3A_4 = arith.constant 1 : i32
      %run_scoped3A_5 = arith.constant 1 : i32
      "tpu.region"() ({
        %run_scoped3A_28 = tpu.sem_alloc : memref<!tpu.dma_semaphore, #tpu.memory_space<semaphore_mem>>
        %dma_start3A = arith.constant 0 : i32
        %dma_start3A_29 = tpu.memref_slice %arg8[%run_scoped3A_4, %dma_start3A] : memref<10x128xf32, #tpu.memory_space<vmem>> -> memref<1x128xf32, #tpu.memory_space<vmem>>
        %dma_start3A_30 = tpu.memref_squeeze %dma_start3A_29 : memref<1x128xf32, #tpu.memory_space<vmem>> -> memref<128xf32, #tpu.memory_space<vmem>>
        %dma_start3A_31 = arith.constant 0 : i32
        %dma_start3A_32 = tpu.memref_slice %arg7[%run_scoped3A_5, %dma_start3A_31] : memref<10x128xi32, #tpu.memory_space<vmem>> -> memref<1x128xi32, #tpu.memory_space<vmem>>
        %dma_start3A_33 = tpu.memref_squeeze %dma_start3A_32 : memref<1x128xi32, #tpu.memory_space<vmem>> -> memref<128xi32, #tpu.memory_space<vmem>>
        %dma_start3A_34 = arith.constant 0 : i32
        %dma_start3A_35 = tpu.memref_slice %arg9[%dma_start3A_34] : memref<20480xf32, #tpu.memory_space<vmem_shared>> -> memref<20480xf32, #tpu.memory_space<vmem_shared>>
        tpu.enqueue_indirect_dma source(%dma_start3A_30 : memref<128xf32, #tpu.memory_space<vmem>>) target(%dma_start3A_35 : memref<20480xf32, #tpu.memory_space<vmem_shared>>) offsets(%dma_start3A_33 : memref<128xi32, #tpu.memory_space<vmem>>) semaphore(%run_scoped3A_28 : memref<!tpu.dma_semaphore, #tpu.memory_space<semaphore_mem>>)
        %dma_wait3A = arith.constant 0 : i32
        %dma_wait3A_36 = tpu.memref_slice %arg8[%run_scoped3A_4, %dma_wait3A] : memref<10x128xf32, #tpu.memory_space<vmem>> -> memref<1x128xf32, #tpu.memory_space<vmem>>
        %dma_wait3A_37 = tpu.memref_squeeze %dma_wait3A_36 : memref<1x128xf32, #tpu.memory_space<vmem>> -> memref<128xf32, #tpu.memory_space<vmem>>
        %dma_wait3A_38 = arith.constant 0 : i32
        %dma_wait3A_39 = tpu.memref_slice %arg7[%run_scoped3A_5, %dma_wait3A_38] : memref<10x128xi32, #tpu.memory_space<vmem>> -> memref<1x128xi32, #tpu.memory_space<vmem>>
        %dma_wait3A_40 = tpu.memref_squeeze %dma_wait3A_39 : memref<1x128xi32, #tpu.memory_space<vmem>> -> memref<128xi32, #tpu.memory_space<vmem>>
        %dma_wait3A_41 = arith.constant 0 : i32
        %dma_wait3A_42 = tpu.memref_slice %arg9[%dma_wait3A_41] : memref<20480xf32, #tpu.memory_space<vmem_shared>> -> memref<20480xf32, #tpu.memory_space<vmem_shared>>
        tpu.wait_indirect_dma semaphore(%run_scoped3A_28 : memref<!tpu.dma_semaphore, #tpu.memory_space<semaphore_mem>>) src(%dma_wait3A_37 : memref<128xf32, #tpu.memory_space<vmem>>) dst(%dma_wait3A_42 : memref<20480xf32, #tpu.memory_space<vmem_shared>>)
        tpu.yield
      }) : () -> ()
      %run_scoped3A_6 = arith.constant 2 : i32
      %run_scoped3A_7 = arith.constant 2 : i32
      "tpu.region"() ({
        %run_scoped3A_28 = tpu.sem_alloc : memref<!tpu.dma_semaphore, #tpu.memory_space<semaphore_mem>>
        %dma_start3A = arith.constant 0 : i32
        %dma_start3A_29 = tpu.memref_slice %arg8[%run_scoped3A_6, %dma_start3A] : memref<10x128xf32, #tpu.memory_space<vmem>> -> memref<1x128xf32, #tpu.memory_space<vmem>>
        %dma_start3A_30 = tpu.memref_squeeze %dma_start3A_29 : memref<1x128xf32, #tpu.memory_space<vmem>> -> memref<128xf32, #tpu.memory_space<vmem>>
        %dma_start3A_31 = arith.constant 0 : i32
        %dma_start3A_32 = tpu.memref_slice %arg7[%run_scoped3A_7, %dma_start3A_31] : memref<10x128xi32, #tpu.memory_space<vmem>> -> memref<1x128xi32, #tpu.memory_space<vmem>>
        %dma_start3A_33 = tpu.memref_squeeze %dma_start3A_32 : memref<1x128xi32, #tpu.memory_space<vmem>> -> memref<128xi32, #tpu.memory_space<vmem>>
        %dma_start3A_34 = arith.constant 0 : i32
        %dma_start3A_35 = tpu.memref_slice %arg9[%dma_start3A_34] : memref<20480xf32, #tpu.memory_space<vmem_shared>> -> memref<20480xf32, #tpu.memory_space<vmem_shared>>
        tpu.enqueue_indirect_dma source(%dma_start3A_30 : memref<128xf32, #tpu.memory_space<vmem>>) target(%dma_start3A_35 : memref<20480xf32, #tpu.memory_space<vmem_shared>>) offsets(%dma_start3A_33 : memref<128xi32, #tpu.memory_space<vmem>>) semaphore(%run_scoped3A_28 : memref<!tpu.dma_semaphore, #tpu.memory_space<semaphore_mem>>)
        %dma_wait3A = arith.constant 0 : i32
        %dma_wait3A_36 = tpu.memref_slice %arg8[%run_scoped3A_6, %dma_wait3A] : memref<10x128xf32, #tpu.memory_space<vmem>> -> memref<1x128xf32, #tpu.memory_space<vmem>>
        %dma_wait3A_37 = tpu.memref_squeeze %dma_wait3A_36 : memref<1x128xf32, #tpu.memory_space<vmem>> -> memref<128xf32, #tpu.memory_space<vmem>>
        %dma_wait3A_38 = arith.constant 0 : i32
        %dma_wait3A_39 = tpu.memref_slice %arg7[%run_scoped3A_7, %dma_wait3A_38] : memref<10x128xi32, #tpu.memory_space<vmem>> -> memref<1x128xi32, #tpu.memory_space<vmem>>
        %dma_wait3A_40 = tpu.memref_squeeze %dma_wait3A_39 : memref<1x128xi32, #tpu.memory_space<vmem>> -> memref<128xi32, #tpu.memory_space<vmem>>
        %dma_wait3A_41 = arith.constant 0 : i32
        %dma_wait3A_42 = tpu.memref_slice %arg9[%dma_wait3A_41] : memref<20480xf32, #tpu.memory_space<vmem_shared>> -> memref<20480xf32, #tpu.memory_space<vmem_shared>>
        tpu.wait_indirect_dma semaphore(%run_scoped3A_28 : memref<!tpu.dma_semaphore, #tpu.memory_space<semaphore_mem>>) src(%dma_wait3A_37 : memref<128xf32, #tpu.memory_space<vmem>>) dst(%dma_wait3A_42 : memref<20480xf32, #tpu.memory_space<vmem_shared>>)
        tpu.yield
      }) : () -> ()
      %run_scoped3A_8 = arith.constant 3 : i32
      %run_scoped3A_9 = arith.constant 3 : i32
      "tpu.region"() ({
        %run_scoped3A_28 = tpu.sem_alloc : memref<!tpu.dma_semaphore, #tpu.memory_space<semaphore_mem>>
        %dma_start3A = arith.constant 0 : i32
        %dma_start3A_29 = tpu.memref_slice %arg8[%run_scoped3A_8, %dma_start3A] : memref<10x128xf32, #tpu.memory_space<vmem>> -> memref<1x128xf32, #tpu.memory_space<vmem>>
        %dma_start3A_30 = tpu.memref_squeeze %dma_start3A_29 : memref<1x128xf32, #tpu.memory_space<vmem>> -> memref<128xf32, #tpu.memory_space<vmem>>
        %dma_start3A_31 = arith.constant 0 : i32
        %dma_start3A_32 = tpu.memref_slice %arg7[%run_scoped3A_9, %dma_start3A_31] : memref<10x128xi32, #tpu.memory_space<vmem>> -> memref<1x128xi32, #tpu.memory_space<vmem>>
        %dma_start3A_33 = tpu.memref_squeeze %dma_start3A_32 : memref<1x128xi32, #tpu.memory_space<vmem>> -> memref<128xi32, #tpu.memory_space<vmem>>
        %dma_start3A_34 = arith.constant 0 : i32
        %dma_start3A_35 = tpu.memref_slice %arg9[%dma_start3A_34] : memref<20480xf32, #tpu.memory_space<vmem_shared>> -> memref<20480xf32, #tpu.memory_space<vmem_shared>>
        tpu.enqueue_indirect_dma source(%dma_start3A_30 : memref<128xf32, #tpu.memory_space<vmem>>) target(%dma_start3A_35 : memref<20480xf32, #tpu.memory_space<vmem_shared>>) offsets(%dma_start3A_33 : memref<128xi32, #tpu.memory_space<vmem>>) semaphore(%run_scoped3A_28 : memref<!tpu.dma_semaphore, #tpu.memory_space<semaphore_mem>>)
        %dma_wait3A = arith.constant 0 : i32
        %dma_wait3A_36 = tpu.memref_slice %arg8[%run_scoped3A_8, %dma_wait3A] : memref<10x128xf32, #tpu.memory_space<vmem>> -> memref<1x128xf32, #tpu.memory_space<vmem>>
        %dma_wait3A_37 = tpu.memref_squeeze %dma_wait3A_36 : memref<1x128xf32, #tpu.memory_space<vmem>> -> memref<128xf32, #tpu.memory_space<vmem>>
        %dma_wait3A_38 = arith.constant 0 : i32
        %dma_wait3A_39 = tpu.memref_slice %arg7[%run_scoped3A_9, %dma_wait3A_38] : memref<10x128xi32, #tpu.memory_space<vmem>> -> memref<1x128xi32, #tpu.memory_space<vmem>>
        %dma_wait3A_40 = tpu.memref_squeeze %dma_wait3A_39 : memref<1x128xi32, #tpu.memory_space<vmem>> -> memref<128xi32, #tpu.memory_space<vmem>>
        %dma_wait3A_41 = arith.constant 0 : i32
        %dma_wait3A_42 = tpu.memref_slice %arg9[%dma_wait3A_41] : memref<20480xf32, #tpu.memory_space<vmem_shared>> -> memref<20480xf32, #tpu.memory_space<vmem_shared>>
        tpu.wait_indirect_dma semaphore(%run_scoped3A_28 : memref<!tpu.dma_semaphore, #tpu.memory_space<semaphore_mem>>) src(%dma_wait3A_37 : memref<128xf32, #tpu.memory_space<vmem>>) dst(%dma_wait3A_42 : memref<20480xf32, #tpu.memory_space<vmem_shared>>)
        tpu.yield
      }) : () -> ()
      %run_scoped3A_10 = arith.constant 4 : i32
      %run_scoped3A_11 = arith.constant 4 : i32
      "tpu.region"() ({
        %run_scoped3A_28 = tpu.sem_alloc : memref<!tpu.dma_semaphore, #tpu.memory_space<semaphore_mem>>
        %dma_start3A = arith.constant 0 : i32
        %dma_start3A_29 = tpu.memref_slice %arg8[%run_scoped3A_10, %dma_start3A] : memref<10x128xf32, #tpu.memory_space<vmem>> -> memref<1x128xf32, #tpu.memory_space<vmem>>
        %dma_start3A_30 = tpu.memref_squeeze %dma_start3A_29 : memref<1x128xf32, #tpu.memory_space<vmem>> -> memref<128xf32, #tpu.memory_space<vmem>>
        %dma_start3A_31 = arith.constant 0 : i32
        %dma_start3A_32 = tpu.memref_slice %arg7[%run_scoped3A_11, %dma_start3A_31] : memref<10x128xi32, #tpu.memory_space<vmem>> -> memref<1x128xi32, #tpu.memory_space<vmem>>
        %dma_start3A_33 = tpu.memref_squeeze %dma_start3A_32 : memref<1x128xi32, #tpu.memory_space<vmem>> -> memref<128xi32, #tpu.memory_space<vmem>>
        %dma_start3A_34 = arith.constant 0 : i32
        %dma_start3A_35 = tpu.memref_slice %arg9[%dma_start3A_34] : memref<20480xf32, #tpu.memory_space<vmem_shared>> -> memref<20480xf32, #tpu.memory_space<vmem_shared>>
        tpu.enqueue_indirect_dma source(%dma_start3A_30 : memref<128xf32, #tpu.memory_space<vmem>>) target(%dma_start3A_35 : memref<20480xf32, #tpu.memory_space<vmem_shared>>) offsets(%dma_start3A_33 : memref<128xi32, #tpu.memory_space<vmem>>) semaphore(%run_scoped3A_28 : memref<!tpu.dma_semaphore, #tpu.memory_space<semaphore_mem>>)
        %dma_wait3A = arith.constant 0 : i32
        %dma_wait3A_36 = tpu.memref_slice %arg8[%run_scoped3A_10, %dma_wait3A] : memref<10x128xf32, #tpu.memory_space<vmem>> -> memref<1x128xf32, #tpu.memory_space<vmem>>
        %dma_wait3A_37 = tpu.memref_squeeze %dma_wait3A_36 : memref<1x128xf32, #tpu.memory_space<vmem>> -> memref<128xf32, #tpu.memory_space<vmem>>
        %dma_wait3A_38 = arith.constant 0 : i32
        %dma_wait3A_39 = tpu.memref_slice %arg7[%run_scoped3A_11, %dma_wait3A_38] : memref<10x128xi32, #tpu.memory_space<vmem>> -> memref<1x128xi32, #tpu.memory_space<vmem>>
        %dma_wait3A_40 = tpu.memref_squeeze %dma_wait3A_39 : memref<1x128xi32, #tpu.memory_space<vmem>> -> memref<128xi32, #tpu.memory_space<vmem>>
        %dma_wait3A_41 = arith.constant 0 : i32
        %dma_wait3A_42 = tpu.memref_slice %arg9[%dma_wait3A_41] : memref<20480xf32, #tpu.memory_space<vmem_shared>> -> memref<20480xf32, #tpu.memory_space<vmem_shared>>
        tpu.wait_indirect_dma semaphore(%run_scoped3A_28 : memref<!tpu.dma_semaphore, #tpu.memory_space<semaphore_mem>>) src(%dma_wait3A_37 : memref<128xf32, #tpu.memory_space<vmem>>) dst(%dma_wait3A_42 : memref<20480xf32, #tpu.memory_space<vmem_shared>>)
        tpu.yield
      }) : () -> ()
      %run_scoped3A_12 = arith.constant 5 : i32
      %run_scoped3A_13 = arith.constant 5 : i32
      "tpu.region"() ({
        %run_scoped3A_28 = tpu.sem_alloc : memref<!tpu.dma_semaphore, #tpu.memory_space<semaphore_mem>>
        %dma_start3A = arith.constant 0 : i32
        %dma_start3A_29 = tpu.memref_slice %arg8[%run_scoped3A_12, %dma_start3A] : memref<10x128xf32, #tpu.memory_space<vmem>> -> memref<1x128xf32, #tpu.memory_space<vmem>>
        %dma_start3A_30 = tpu.memref_squeeze %dma_start3A_29 : memref<1x128xf32, #tpu.memory_space<vmem>> -> memref<128xf32, #tpu.memory_space<vmem>>
        %dma_start3A_31 = arith.constant 0 : i32
        %dma_start3A_32 = tpu.memref_slice %arg7[%run_scoped3A_13, %dma_start3A_31] : memref<10x128xi32, #tpu.memory_space<vmem>> -> memref<1x128xi32, #tpu.memory_space<vmem>>
        %dma_start3A_33 = tpu.memref_squeeze %dma_start3A_32 : memref<1x128xi32, #tpu.memory_space<vmem>> -> memref<128xi32, #tpu.memory_space<vmem>>
        %dma_start3A_34 = arith.constant 0 : i32
        %dma_start3A_35 = tpu.memref_slice %arg9[%dma_start3A_34] : memref<20480xf32, #tpu.memory_space<vmem_shared>> -> memref<20480xf32, #tpu.memory_space<vmem_shared>>
        tpu.enqueue_indirect_dma source(%dma_start3A_30 : memref<128xf32, #tpu.memory_space<vmem>>) target(%dma_start3A_35 : memref<20480xf32, #tpu.memory_space<vmem_shared>>) offsets(%dma_start3A_33 : memref<128xi32, #tpu.memory_space<vmem>>) semaphore(%run_scoped3A_28 : memref<!tpu.dma_semaphore, #tpu.memory_space<semaphore_mem>>)
        %dma_wait3A = arith.constant 0 : i32
        %dma_wait3A_36 = tpu.memref_slice %arg8[%run_scoped3A_12, %dma_wait3A] : memref<10x128xf32, #tpu.memory_space<vmem>> -> memref<1x128xf32, #tpu.memory_space<vmem>>
        %dma_wait3A_37 = tpu.memref_squeeze %dma_wait3A_36 : memref<1x128xf32, #tpu.memory_space<vmem>> -> memref<128xf32, #tpu.memory_space<vmem>>
        %dma_wait3A_38 = arith.constant 0 : i32
        %dma_wait3A_39 = tpu.memref_slice %arg7[%run_scoped3A_13, %dma_wait3A_38] : memref<10x128xi32, #tpu.memory_space<vmem>> -> memref<1x128xi32, #tpu.memory_space<vmem>>
        %dma_wait3A_40 = tpu.memref_squeeze %dma_wait3A_39 : memref<1x128xi32, #tpu.memory_space<vmem>> -> memref<128xi32, #tpu.memory_space<vmem>>
        %dma_wait3A_41 = arith.constant 0 : i32
        %dma_wait3A_42 = tpu.memref_slice %arg9[%dma_wait3A_41] : memref<20480xf32, #tpu.memory_space<vmem_shared>> -> memref<20480xf32, #tpu.memory_space<vmem_shared>>
        tpu.wait_indirect_dma semaphore(%run_scoped3A_28 : memref<!tpu.dma_semaphore, #tpu.memory_space<semaphore_mem>>) src(%dma_wait3A_37 : memref<128xf32, #tpu.memory_space<vmem>>) dst(%dma_wait3A_42 : memref<20480xf32, #tpu.memory_space<vmem_shared>>)
        tpu.yield
      }) : () -> ()
      %run_scoped3A_14 = arith.constant 6 : i32
      %run_scoped3A_15 = arith.constant 6 : i32
      "tpu.region"() ({
        %run_scoped3A_28 = tpu.sem_alloc : memref<!tpu.dma_semaphore, #tpu.memory_space<semaphore_mem>>
        %dma_start3A = arith.constant 0 : i32
        %dma_start3A_29 = tpu.memref_slice %arg8[%run_scoped3A_14, %dma_start3A] : memref<10x128xf32, #tpu.memory_space<vmem>> -> memref<1x128xf32, #tpu.memory_space<vmem>>
        %dma_start3A_30 = tpu.memref_squeeze %dma_start3A_29 : memref<1x128xf32, #tpu.memory_space<vmem>> -> memref<128xf32, #tpu.memory_space<vmem>>
        %dma_start3A_31 = arith.constant 0 : i32
        %dma_start3A_32 = tpu.memref_slice %arg7[%run_scoped3A_15, %dma_start3A_31] : memref<10x128xi32, #tpu.memory_space<vmem>> -> memref<1x128xi32, #tpu.memory_space<vmem>>
        %dma_start3A_33 = tpu.memref_squeeze %dma_start3A_32 : memref<1x128xi32, #tpu.memory_space<vmem>> -> memref<128xi32, #tpu.memory_space<vmem>>
        %dma_start3A_34 = arith.constant 0 : i32
        %dma_start3A_35 = tpu.memref_slice %arg9[%dma_start3A_34] : memref<20480xf32, #tpu.memory_space<vmem_shared>> -> memref<20480xf32, #tpu.memory_space<vmem_shared>>
        tpu.enqueue_indirect_dma source(%dma_start3A_30 : memref<128xf32, #tpu.memory_space<vmem>>) target(%dma_start3A_35 : memref<20480xf32, #tpu.memory_space<vmem_shared>>) offsets(%dma_start3A_33 : memref<128xi32, #tpu.memory_space<vmem>>) semaphore(%run_scoped3A_28 : memref<!tpu.dma_semaphore, #tpu.memory_space<semaphore_mem>>)
        %dma_wait3A = arith.constant 0 : i32
        %dma_wait3A_36 = tpu.memref_slice %arg8[%run_scoped3A_14, %dma_wait3A] : memref<10x128xf32, #tpu.memory_space<vmem>> -> memref<1x128xf32, #tpu.memory_space<vmem>>
        %dma_wait3A_37 = tpu.memref_squeeze %dma_wait3A_36 : memref<1x128xf32, #tpu.memory_space<vmem>> -> memref<128xf32, #tpu.memory_space<vmem>>
        %dma_wait3A_38 = arith.constant 0 : i32
        %dma_wait3A_39 = tpu.memref_slice %arg7[%run_scoped3A_15, %dma_wait3A_38] : memref<10x128xi32, #tpu.memory_space<vmem>> -> memref<1x128xi32, #tpu.memory_space<vmem>>
        %dma_wait3A_40 = tpu.memref_squeeze %dma_wait3A_39 : memref<1x128xi32, #tpu.memory_space<vmem>> -> memref<128xi32, #tpu.memory_space<vmem>>
        %dma_wait3A_41 = arith.constant 0 : i32
        %dma_wait3A_42 = tpu.memref_slice %arg9[%dma_wait3A_41] : memref<20480xf32, #tpu.memory_space<vmem_shared>> -> memref<20480xf32, #tpu.memory_space<vmem_shared>>
        tpu.wait_indirect_dma semaphore(%run_scoped3A_28 : memref<!tpu.dma_semaphore, #tpu.memory_space<semaphore_mem>>) src(%dma_wait3A_37 : memref<128xf32, #tpu.memory_space<vmem>>) dst(%dma_wait3A_42 : memref<20480xf32, #tpu.memory_space<vmem_shared>>)
        tpu.yield
      }) : () -> ()
      %run_scoped3A_16 = arith.constant 7 : i32
      %run_scoped3A_17 = arith.constant 7 : i32
      "tpu.region"() ({
        %run_scoped3A_28 = tpu.sem_alloc : memref<!tpu.dma_semaphore, #tpu.memory_space<semaphore_mem>>
        %dma_start3A = arith.constant 0 : i32
        %dma_start3A_29 = tpu.memref_slice %arg8[%run_scoped3A_16, %dma_start3A] : memref<10x128xf32, #tpu.memory_space<vmem>> -> memref<1x128xf32, #tpu.memory_space<vmem>>
        %dma_start3A_30 = tpu.memref_squeeze %dma_start3A_29 : memref<1x128xf32, #tpu.memory_space<vmem>> -> memref<128xf32, #tpu.memory_space<vmem>>
        %dma_start3A_31 = arith.constant 0 : i32
        %dma_start3A_32 = tpu.memref_slice %arg7[%run_scoped3A_17, %dma_start3A_31] : memref<10x128xi32, #tpu.memory_space<vmem>> -> memref<1x128xi32, #tpu.memory_space<vmem>>
        %dma_start3A_33 = tpu.memref_squeeze %dma_start3A_32 : memref<1x128xi32, #tpu.memory_space<vmem>> -> memref<128xi32, #tpu.memory_space<vmem>>
        %dma_start3A_34 = arith.constant 0 : i32
        %dma_start3A_35 = tpu.memref_slice %arg9[%dma_start3A_34] : memref<20480xf32, #tpu.memory_space<vmem_shared>> -> memref<20480xf32, #tpu.memory_space<vmem_shared>>
        tpu.enqueue_indirect_dma source(%dma_start3A_30 : memref<128xf32, #tpu.memory_space<vmem>>) target(%dma_start3A_35 : memref<20480xf32, #tpu.memory_space<vmem_shared>>) offsets(%dma_start3A_33 : memref<128xi32, #tpu.memory_space<vmem>>) semaphore(%run_scoped3A_28 : memref<!tpu.dma_semaphore, #tpu.memory_space<semaphore_mem>>)
        %dma_wait3A = arith.constant 0 : i32
        %dma_wait3A_36 = tpu.memref_slice %arg8[%run_scoped3A_16, %dma_wait3A] : memref<10x128xf32, #tpu.memory_space<vmem>> -> memref<1x128xf32, #tpu.memory_space<vmem>>
        %dma_wait3A_37 = tpu.memref_squeeze %dma_wait3A_36 : memref<1x128xf32, #tpu.memory_space<vmem>> -> memref<128xf32, #tpu.memory_space<vmem>>
        %dma_wait3A_38 = arith.constant 0 : i32
        %dma_wait3A_39 = tpu.memref_slice %arg7[%run_scoped3A_17, %dma_wait3A_38] : memref<10x128xi32, #tpu.memory_space<vmem>> -> memref<1x128xi32, #tpu.memory_space<vmem>>
        %dma_wait3A_40 = tpu.memref_squeeze %dma_wait3A_39 : memref<1x128xi32, #tpu.memory_space<vmem>> -> memref<128xi32, #tpu.memory_space<vmem>>
        %dma_wait3A_41 = arith.constant 0 : i32
        %dma_wait3A_42 = tpu.memref_slice %arg9[%dma_wait3A_41] : memref<20480xf32, #tpu.memory_space<vmem_shared>> -> memref<20480xf32, #tpu.memory_space<vmem_shared>>
        tpu.wait_indirect_dma semaphore(%run_scoped3A_28 : memref<!tpu.dma_semaphore, #tpu.memory_space<semaphore_mem>>) src(%dma_wait3A_37 : memref<128xf32, #tpu.memory_space<vmem>>) dst(%dma_wait3A_42 : memref<20480xf32, #tpu.memory_space<vmem_shared>>)
        tpu.yield
      }) : () -> ()
      %run_scoped3A_18 = arith.constant 8 : i32
      %run_scoped3A_19 = arith.constant 8 : i32
      "tpu.region"() ({
        %run_scoped3A_28 = tpu.sem_alloc : memref<!tpu.dma_semaphore, #tpu.memory_space<semaphore_mem>>
        %dma_start3A = arith.constant 0 : i32
        %dma_start3A_29 = tpu.memref_slice %arg8[%run_scoped3A_18, %dma_start3A] : memref<10x128xf32, #tpu.memory_space<vmem>> -> memref<1x128xf32, #tpu.memory_space<vmem>>
        %dma_start3A_30 = tpu.memref_squeeze %dma_start3A_29 : memref<1x128xf32, #tpu.memory_space<vmem>> -> memref<128xf32, #tpu.memory_space<vmem>>
        %dma_start3A_31 = arith.constant 0 : i32
        %dma_start3A_32 = tpu.memref_slice %arg7[%run_scoped3A_19, %dma_start3A_31] : memref<10x128xi32, #tpu.memory_space<vmem>> -> memref<1x128xi32, #tpu.memory_space<vmem>>
        %dma_start3A_33 = tpu.memref_squeeze %dma_start3A_32 : memref<1x128xi32, #tpu.memory_space<vmem>> -> memref<128xi32, #tpu.memory_space<vmem>>
        %dma_start3A_34 = arith.constant 0 : i32
        %dma_start3A_35 = tpu.memref_slice %arg9[%dma_start3A_34] : memref<20480xf32, #tpu.memory_space<vmem_shared>> -> memref<20480xf32, #tpu.memory_space<vmem_shared>>
        tpu.enqueue_indirect_dma source(%dma_start3A_30 : memref<128xf32, #tpu.memory_space<vmem>>) target(%dma_start3A_35 : memref<20480xf32, #tpu.memory_space<vmem_shared>>) offsets(%dma_start3A_33 : memref<128xi32, #tpu.memory_space<vmem>>) semaphore(%run_scoped3A_28 : memref<!tpu.dma_semaphore, #tpu.memory_space<semaphore_mem>>)
        %dma_wait3A = arith.constant 0 : i32
        %dma_wait3A_36 = tpu.memref_slice %arg8[%run_scoped3A_18, %dma_wait3A] : memref<10x128xf32, #tpu.memory_space<vmem>> -> memref<1x128xf32, #tpu.memory_space<vmem>>
        %dma_wait3A_37 = tpu.memref_squeeze %dma_wait3A_36 : memref<1x128xf32, #tpu.memory_space<vmem>> -> memref<128xf32, #tpu.memory_space<vmem>>
        %dma_wait3A_38 = arith.constant 0 : i32
        %dma_wait3A_39 = tpu.memref_slice %arg7[%run_scoped3A_19, %dma_wait3A_38] : memref<10x128xi32, #tpu.memory_space<vmem>> -> memref<1x128xi32, #tpu.memory_space<vmem>>
        %dma_wait3A_40 = tpu.memref_squeeze %dma_wait3A_39 : memref<1x128xi32, #tpu.memory_space<vmem>> -> memref<128xi32, #tpu.memory_space<vmem>>
        %dma_wait3A_41 = arith.constant 0 : i32
        %dma_wait3A_42 = tpu.memref_slice %arg9[%dma_wait3A_41] : memref<20480xf32, #tpu.memory_space<vmem_shared>> -> memref<20480xf32, #tpu.memory_space<vmem_shared>>
        tpu.wait_indirect_dma semaphore(%run_scoped3A_28 : memref<!tpu.dma_semaphore, #tpu.memory_space<semaphore_mem>>) src(%dma_wait3A_37 : memref<128xf32, #tpu.memory_space<vmem>>) dst(%dma_wait3A_42 : memref<20480xf32, #tpu.memory_space<vmem_shared>>)
        tpu.yield
      }) : () -> ()
      %run_scoped3A_20 = arith.constant 9 : i32
      %run_scoped3A_21 = arith.constant 9 : i32
      "tpu.region"() ({
        %run_scoped3A_28 = tpu.sem_alloc : memref<!tpu.dma_semaphore, #tpu.memory_space<semaphore_mem>>
        %dma_start3A = arith.constant 0 : i32
        %dma_start3A_29 = tpu.memref_slice %arg8[%run_scoped3A_20, %dma_start3A] : memref<10x128xf32, #tpu.memory_space<vmem>> -> memref<1x128xf32, #tpu.memory_space<vmem>>
        %dma_start3A_30 = tpu.memref_squeeze %dma_start3A_29 : memref<1x128xf32, #tpu.memory_space<vmem>> -> memref<128xf32, #tpu.memory_space<vmem>>
        %dma_start3A_31 = arith.constant 0 : i32
        %dma_start3A_32 = tpu.memref_slice %arg7[%run_scoped3A_21, %dma_start3A_31] : memref<10x128xi32, #tpu.memory_space<vmem>> -> memref<1x128xi32, #tpu.memory_space<vmem>>
        %dma_start3A_33 = tpu.memref_squeeze %dma_start3A_32 : memref<1x128xi32, #tpu.memory_space<vmem>> -> memref<128xi32, #tpu.memory_space<vmem>>
        %dma_start3A_34 = arith.constant 0 : i32
        %dma_start3A_35 = tpu.memref_slice %arg9[%dma_start3A_34] : memref<20480xf32, #tpu.memory_space<vmem_shared>> -> memref<20480xf32, #tpu.memory_space<vmem_shared>>
        tpu.enqueue_indirect_dma source(%dma_start3A_30 : memref<128xf32, #tpu.memory_space<vmem>>) target(%dma_start3A_35 : memref<20480xf32, #tpu.memory_space<vmem_shared>>) offsets(%dma_start3A_33 : memref<128xi32, #tpu.memory_space<vmem>>) semaphore(%run_scoped3A_28 : memref<!tpu.dma_semaphore, #tpu.memory_space<semaphore_mem>>)
        %dma_wait3A = arith.constant 0 : i32
        %dma_wait3A_36 = tpu.memref_slice %arg8[%run_scoped3A_20, %dma_wait3A] : memref<10x128xf32, #tpu.memory_space<vmem>> -> memref<1x128xf32, #tpu.memory_space<vmem>>
        %dma_wait3A_37 = tpu.memref_squeeze %dma_wait3A_36 : memref<1x128xf32, #tpu.memory_space<vmem>> -> memref<128xf32, #tpu.memory_space<vmem>>
        %dma_wait3A_38 = arith.constant 0 : i32
        %dma_wait3A_39 = tpu.memref_slice %arg7[%run_scoped3A_21, %dma_wait3A_38] : memref<10x128xi32, #tpu.memory_space<vmem>> -> memref<1x128xi32, #tpu.memory_space<vmem>>
        %dma_wait3A_40 = tpu.memref_squeeze %dma_wait3A_39 : memref<1x128xi32, #tpu.memory_space<vmem>> -> memref<128xi32, #tpu.memory_space<vmem>>
        %dma_wait3A_41 = arith.constant 0 : i32
        %dma_wait3A_42 = tpu.memref_slice %arg9[%dma_wait3A_41] : memref<20480xf32, #tpu.memory_space<vmem_shared>> -> memref<20480xf32, #tpu.memory_space<vmem_shared>>
        tpu.wait_indirect_dma semaphore(%run_scoped3A_28 : memref<!tpu.dma_semaphore, #tpu.memory_space<semaphore_mem>>) src(%dma_wait3A_37 : memref<128xf32, #tpu.memory_space<vmem>>) dst(%dma_wait3A_42 : memref<20480xf32, #tpu.memory_space<vmem_shared>>)
        tpu.yield
      }) : () -> ()
      %barrier3A = arith.constant 0 : index
      tpu.barrier barrier_id(%barrier3A)
      "tpu.region"() ({
        %run_scoped3A_28 = tpu.sem_alloc : memref<!tpu.dma_semaphore, #tpu.memory_space<semaphore_mem>>
        %dma_start3A = tpu.memref_slice %arg9[%mul3A_2] : memref<20480xf32, #tpu.memory_space<vmem_shared>> -> memref<1280xf32, #tpu.memory_space<vmem_shared>>
        %dma_start3A_29 = tpu.memref_slice %arg9[%mul3A_2] : memref<20480xf32, #tpu.memory_space<vmem_shared>> -> memref<1280xf32, #tpu.memory_space<vmem_shared>>
        tpu.enqueue_dma source(%dma_start3A_29 : memref<1280xf32, #tpu.memory_space<vmem_shared>>) target(%arg10 : memref<1280xf32, #tpu.memory_space<vmem>>) target_semaphore(%run_scoped3A_28 : memref<!tpu.dma_semaphore, #tpu.memory_space<semaphore_mem>>)
        %dma_wait3A = tpu.memref_slice %arg9[%mul3A_2] : memref<20480xf32, #tpu.memory_space<vmem_shared>> -> memref<1280xf32, #tpu.memory_space<vmem_shared>>
        %dma_wait3A_30 = tpu.memref_slice %arg9[%mul3A_2] : memref<20480xf32, #tpu.memory_space<vmem_shared>> -> memref<1280xf32, #tpu.memory_space<vmem_shared>>
        tpu.wait_dma2 semaphore(%run_scoped3A_28 : memref<!tpu.dma_semaphore, #tpu.memory_space<semaphore_mem>>) src(%dma_wait3A_30 : memref<1280xf32, #tpu.memory_space<vmem_shared>>) dst(%arg10 : memref<1280xf32, #tpu.memory_space<vmem>>)
        tpu.yield
      }) : () -> ()
      "tpu.region"() ({
        %run_scoped3A_28 = tpu.sem_alloc : memref<!tpu.dma_semaphore, #tpu.memory_space<semaphore_mem>>
        %dma_start3A = tpu.memref_slice %arg4[%mul3A_2] : memref<20480xf32, #tpu.memory_space<hbm>> -> memref<1280xf32, #tpu.memory_space<hbm>>
        %dma_start3A_29 = tpu.memref_slice %arg4[%mul3A_2] : memref<20480xf32, #tpu.memory_space<hbm>> -> memref<1280xf32, #tpu.memory_space<hbm>>
        tpu.enqueue_dma source(%dma_start3A_29 : memref<1280xf32, #tpu.memory_space<hbm>>) target(%arg11 : memref<1280xf32, #tpu.memory_space<vmem>>) target_semaphore(%run_scoped3A_28 : memref<!tpu.dma_semaphore, #tpu.memory_space<semaphore_mem>>)
        %dma_wait3A = tpu.memref_slice %arg4[%mul3A_2] : memref<20480xf32, #tpu.memory_space<hbm>> -> memref<1280xf32, #tpu.memory_space<hbm>>
        %dma_wait3A_30 = tpu.memref_slice %arg4[%mul3A_2] : memref<20480xf32, #tpu.memory_space<hbm>> -> memref<1280xf32, #tpu.memory_space<hbm>>
        tpu.wait_dma2 semaphore(%run_scoped3A_28 : memref<!tpu.dma_semaphore, #tpu.memory_space<semaphore_mem>>) src(%dma_wait3A_30 : memref<1280xf32, #tpu.memory_space<hbm>>) dst(%arg11 : memref<1280xf32, #tpu.memory_space<vmem>>)
        tpu.yield
      }) : () -> ()
      %scan3A = arith.constant 0 : i32
      %scan3A_22 = arith.constant 0 : i32
      %scan3A_23 = arith.constant 80 : i32
      %scan3A_24 = arith.addi %scan3A_22, %scan3A_23 : i32
      %scan3A_25 = arith.constant 1 : i32
      %scan3A_26 = scf.for %scan3A_28 = %scan3A_22 to %scan3A_24 step %scan3A_25 iter_args(%scan3A_29 = %scan3A) -> (i32)  : i32 {
        %mul3A_30 = arith.constant 16 : i32
        %mul3A_31 = arith.muli %scan3A_28, %mul3A_30 : i32
        %get3A = arith.index_cast %mul3A_31 : i32 to index
        %get3A_32 = tpu.vector_load %arg10[%get3A] {strides = array<i32>} : memref<1280xf32, #tpu.memory_space<vmem>>, vector<16xf32>,
        %get3A_33 = vector.shape_cast %get3A_32 : vector<16xf32> to vector<16xf32>
        %get3A_34 = arith.index_cast %mul3A_31 : i32 to index
        %get3A_35 = tpu.vector_load %arg11[%get3A_34] {strides = array<i32>} : memref<1280xf32, #tpu.memory_space<vmem>>, vector<16xf32>,
        %get3A_36 = vector.shape_cast %get3A_35 : vector<16xf32> to vector<16xf32>
        %mul3A_37 = arith.mulf %get3A_33, %get3A_36 : vector<16xf32>
        %swap3A = arith.index_cast %mul3A_31 : i32 to index
        %swap3A_38 = tpu.vector_load %arg12[%swap3A] {strides = array<i32>} : memref<1280xf32, #tpu.memory_space<vmem>>, vector<16xf32>,
        %swap3A_39 = vector.shape_cast %swap3A_38 : vector<16xf32> to vector<16xf32>
        %swap3A_40 = vector.shape_cast %mul3A_37 : vector<16xf32> to vector<16xf32>
        tpu.vector_store %arg12[%swap3A], %swap3A_40 {strides = array<i32>} : memref<1280xf32, #tpu.memory_space<vmem>>, vector<16xf32>,
        %scan3A_41 = arith.constant 0 : i32
        scf.yield %scan3A_41 : i32
      }
      %scan3A_27 = arith.constant 80 : i32
      "tpu.region"() ({
        %run_scoped3A_28 = tpu.sem_alloc : memref<!tpu.dma_semaphore, #tpu.memory_space<semaphore_mem>>
        %dma_start3A = tpu.memref_slice %arg5[%mul3A_2] : memref<20480xf32, #tpu.memory_space<hbm>> -> memref<1280xf32, #tpu.memory_space<hbm>>
        %dma_start3A_29 = tpu.memref_slice %arg5[%mul3A_2] : memref<20480xf32, #tpu.memory_space<hbm>> -> memref<1280xf32, #tpu.memory_space<hbm>>
        tpu.enqueue_dma source(%arg10 : memref<1280xf32, #tpu.memory_space<vmem>>) target(%dma_start3A_29 : memref<1280xf32, #tpu.memory_space<hbm>>) target_semaphore(%run_scoped3A_28 : memref<!tpu.dma_semaphore, #tpu.memory_space<semaphore_mem>>)
        %dma_wait3A = tpu.memref_slice %arg5[%mul3A_2] : memref<20480xf32, #tpu.memory_space<hbm>> -> memref<1280xf32, #tpu.memory_space<hbm>>
        %dma_wait3A_30 = tpu.memref_slice %arg5[%mul3A_2] : memref<20480xf32, #tpu.memory_space<hbm>> -> memref<1280xf32, #tpu.memory_space<hbm>>
        tpu.wait_dma2 semaphore(%run_scoped3A_28 : memref<!tpu.dma_semaphore, #tpu.memory_space<semaphore_mem>>) src(%arg10 : memref<1280xf32, #tpu.memory_space<vmem>>) dst(%dma_wait3A_30 : memref<1280xf32, #tpu.memory_space<hbm>>)
        tpu.yield
      }) : () -> ()
      "tpu.region"() ({
        %run_scoped3A_28 = tpu.sem_alloc : memref<!tpu.dma_semaphore, #tpu.memory_space<semaphore_mem>>
        %dma_start3A = tpu.memref_slice %arg6[%mul3A_2] : memref<20480xf32, #tpu.memory_space<hbm>> -> memref<1280xf32, #tpu.memory_space<hbm>>
        %dma_start3A_29 = tpu.memref_slice %arg6[%mul3A_2] : memref<20480xf32, #tpu.memory_space<hbm>> -> memref<1280xf32, #tpu.memory_space<hbm>>
        tpu.enqueue_dma source(%arg12 : memref<1280xf32, #tpu.memory_space<vmem>>) target(%dma_start3A_29 : memref<1280xf32, #tpu.memory_space<hbm>>) target_semaphore(%run_scoped3A_28 : memref<!tpu.dma_semaphore, #tpu.memory_space<semaphore_mem>>)
        %dma_wait3A = tpu.memref_slice %arg6[%mul3A_2] : memref<20480xf32, #tpu.memory_space<hbm>> -> memref<1280xf32, #tpu.memory_space<hbm>>
        %dma_wait3A_30 = tpu.memref_slice %arg6[%mul3A_2] : memref<20480xf32, #tpu.memory_space<hbm>> -> memref<1280xf32, #tpu.memory_space<hbm>>
        tpu.wait_dma2 semaphore(%run_scoped3A_28 : memref<!tpu.dma_semaphore, #tpu.memory_space<semaphore_mem>>) src(%arg12 : memref<1280xf32, #tpu.memory_space<vmem>>) dst(%dma_wait3A_30 : memref<1280xf32, #tpu.memory_space<hbm>>)
        tpu.yield
      }) : () -> ()
    } else {
    }
    return
  }
}

module attributes {stable_mosaic.version = 14 : i64} {
  func.func @body(%arg0: memref<8x20480xf32, #tpu.memory_space<vmem>>, %arg1: memref<20480x4xf32, #tpu.memory_space<vmem>>, %arg2: memref<20480x1xf32, #tpu.memory_space<vmem>>) attributes {dimension_semantics = [], scalar_prefetch = 0 : i64, scratch_operands = 0 : i64, tpu.core_type = #tpu.core_type<tc>} {
    %scan3A = arith.constant 0 : i32
    %scan3A_0 = arith.constant 20 : i32
    %scan3A_1 = arith.addi %scan3A, %scan3A_0 : i32
    %scan3A_2 = arith.constant 1 : i32
    scf.for %scan3A_4 = %scan3A to %scan3A_1 step %scan3A_2  : i32 {
      %mul3A = arith.constant 1024 : i32
      %mul3A_5 = arith.muli %scan3A_4, %mul3A : i32
      %get3A = arith.index_cast %mul3A_5 : i32 to index
      %get3A_6 = arith.constant 0 : index
      %get3A_7 = vector.load %arg1[%get3A, %get3A_6] : memref<20480x4xf32, #tpu.memory_space<vmem>>, vector<1024x1xf32>
      %broadcast_in_dim3A = vector.shape_cast %get3A_7 : vector<1024x1xf32> to vector<1024x1xf32>
      %broadcast_in_dim3A_8 = vector.broadcast %broadcast_in_dim3A : vector<1024x1xf32> to vector<1024x1024xf32>
      %get3A_9 = arith.index_cast %mul3A_5 : i32 to index
      %get3A_10 = arith.constant 1 : index
      %get3A_11 = vector.load %arg1[%get3A_9, %get3A_10] : memref<20480x4xf32, #tpu.memory_space<vmem>>, vector<1024x1xf32>
      %broadcast_in_dim3A_12 = vector.shape_cast %get3A_11 : vector<1024x1xf32> to vector<1024x1xf32>
      %broadcast_in_dim3A_13 = vector.broadcast %broadcast_in_dim3A_12 : vector<1024x1xf32> to vector<1024x1024xf32>
      %get3A_14 = arith.index_cast %mul3A_5 : i32 to index
      %get3A_15 = arith.constant 2 : index
      %get3A_16 = vector.load %arg1[%get3A_14, %get3A_15] : memref<20480x4xf32, #tpu.memory_space<vmem>>, vector<1024x1xf32>
      %broadcast_in_dim3A_17 = vector.shape_cast %get3A_16 : vector<1024x1xf32> to vector<1024x1xf32>
      %broadcast_in_dim3A_18 = vector.broadcast %broadcast_in_dim3A_17 : vector<1024x1xf32> to vector<1024x1024xf32>
      %get3A_19 = arith.index_cast %mul3A_5 : i32 to index
      %get3A_20 = arith.constant 3 : index
      %get3A_21 = vector.load %arg1[%get3A_19, %get3A_20] : memref<20480x4xf32, #tpu.memory_space<vmem>>, vector<1024x1xf32>
      %broadcast_in_dim3A_22 = vector.shape_cast %get3A_21 : vector<1024x1xf32> to vector<1024x1xf32>
      %broadcast_in_dim3A_23 = vector.broadcast %broadcast_in_dim3A_22 : vector<1024x1xf32> to vector<1024x1024xf32>
      %sub3A = arith.subf %broadcast_in_dim3A_18, %broadcast_in_dim3A_8 : vector<1024x1024xf32>
      %sub3A_24 = arith.subf %broadcast_in_dim3A_23, %broadcast_in_dim3A_13 : vector<1024x1024xf32>
      %mul3A_25 = arith.mulf %sub3A, %sub3A_24 : vector<1024x1024xf32>
      %broadcast_in_dim3A_26 = arith.constant 0.000000e+00 : f32
      %broadcast_in_dim3A_27 = vector.broadcast %broadcast_in_dim3A_26 : f32 to vector<1024x1xf32>
      %while3A = arith.constant 0 : i32
      %while3A_28 = arith.subi %scan3A_4, %while3A : i32
      %while3A_29 = arith.addi %while3A, %while3A_28 : i32
      %while3A_30 = arith.constant 1 : i32
      %while3A_31 = arith.divsi %while3A_28, %while3A_30 : i32
      %while3A_32 = arith.muli %while3A_31, %while3A_30 : i32
      %while3A_33 = arith.addi %while3A, %while3A_32 : i32
      %while3A_34 = arith.constant 1 : i32
      %while3A_35 = scf.for %while3A_90 = %while3A to %while3A_33 step %while3A_34 iter_args(%while3A_91 = %broadcast_in_dim3A_27) -> (vector<1024x1xf32>)  : i32 {
        %mul3A_92 = arith.constant 1024 : i32
        %mul3A_93 = arith.muli %while3A_90, %mul3A_92 : i32
        %get3A_94 = arith.constant 0 : index
        %get3A_95 = arith.index_cast %mul3A_93 : i32 to index
        %get3A_96 = vector.load %arg0[%get3A_94, %get3A_95] : memref<8x20480xf32, #tpu.memory_space<vmem>>, vector<1x1024xf32>
        %get3A_97 = arith.constant 1 : index
        %get3A_98 = arith.index_cast %mul3A_93 : i32 to index
        %get3A_99 = vector.load %arg0[%get3A_97, %get3A_98] : memref<8x20480xf32, #tpu.memory_space<vmem>>, vector<1x1024xf32>
        %get3A_100 = arith.constant 2 : index
        %get3A_101 = arith.index_cast %mul3A_93 : i32 to index
        %get3A_102 = vector.load %arg0[%get3A_100, %get3A_101] : memref<8x20480xf32, #tpu.memory_space<vmem>>, vector<1x1024xf32>
        %get3A_103 = arith.constant 3 : index
        %get3A_104 = arith.index_cast %mul3A_93 : i32 to index
        %get3A_105 = vector.load %arg0[%get3A_103, %get3A_104] : memref<8x20480xf32, #tpu.memory_space<vmem>>, vector<1x1024xf32>
        %sub3A_106 = arith.subf %get3A_102, %get3A_96 : vector<1x1024xf32>
        %sub3A_107 = arith.subf %get3A_105, %get3A_99 : vector<1x1024xf32>
        %mul3A_108 = arith.mulf %sub3A_106, %sub3A_107 : vector<1x1024xf32>
        %min3A_109 = vector.broadcast %get3A_102 : vector<1x1024xf32> to vector<1024x1024xf32>
        %min3A_110 = arith.minimumf %broadcast_in_dim3A_18, %min3A_109 : vector<1024x1024xf32>
        %max3A_111 = vector.broadcast %get3A_96 : vector<1x1024xf32> to vector<1024x1024xf32>
        %max3A_112 = arith.maximumf %broadcast_in_dim3A_8, %max3A_111 : vector<1024x1024xf32>
        %sub3A_113 = arith.subf %min3A_110, %max3A_112 : vector<1024x1024xf32>
        %max3A_114 = arith.constant 0.000000e+00 : f32
        %max3A_115 = vector.broadcast %max3A_114 : f32 to vector<1024x1024xf32>
        %max3A_116 = arith.maximumf %sub3A_113, %max3A_115 : vector<1024x1024xf32>
        %min3A_117 = vector.broadcast %get3A_105 : vector<1x1024xf32> to vector<1024x1024xf32>
        %min3A_118 = arith.minimumf %broadcast_in_dim3A_23, %min3A_117 : vector<1024x1024xf32>
        %max3A_119 = vector.broadcast %get3A_99 : vector<1x1024xf32> to vector<1024x1024xf32>
        %max3A_120 = arith.maximumf %broadcast_in_dim3A_13, %max3A_119 : vector<1024x1024xf32>
        %sub3A_121 = arith.subf %min3A_118, %max3A_120 : vector<1024x1024xf32>
        %max3A_122 = arith.constant 0.000000e+00 : f32
        %max3A_123 = vector.broadcast %max3A_122 : f32 to vector<1024x1024xf32>
        %max3A_124 = arith.maximumf %sub3A_121, %max3A_123 : vector<1024x1024xf32>
        %mul3A_125 = arith.mulf %max3A_116, %max3A_124 : vector<1024x1024xf32>
        %add3A_126 = vector.broadcast %mul3A_108 : vector<1x1024xf32> to vector<1024x1024xf32>
        %add3A_127 = arith.addf %mul3A_25, %add3A_126 : vector<1024x1024xf32>
        %sub3A_128 = arith.subf %add3A_127, %mul3A_125 : vector<1024x1024xf32>
        %add3A_129 = arith.constant 9.99999993E-9 : f32
        %add3A_130 = vector.broadcast %add3A_129 : f32 to vector<1024x1024xf32>
        %add3A_131 = arith.addf %sub3A_128, %add3A_130 : vector<1024x1024xf32>
        %div3A_132 = arith.divf %mul3A_125, %add3A_131 : vector<1024x1024xf32>
        %gt3A_133 = arith.constant 5.000000e-01 : f32
        %gt3A_134 = vector.broadcast %gt3A_133 : f32 to vector<1024x1024xf32>
        %gt3A_135 = arith.cmpf ogt, %div3A_132, %gt3A_134 : vector<1024x1024xf32>
        %convert_element_type3A_136 = arith.extui %gt3A_135 : vector<1024x1024xi1> to vector<1024x1024xi32>
        %convert_element_type3A_137 = arith.sitofp %convert_element_type3A_136 : vector<1024x1024xi32> to vector<1024x1024xf32>
        %mul3A_138 = arith.constant 1024 : i32
        %mul3A_139 = arith.muli %while3A_90, %mul3A_138 : i32
        %get3A_140 = arith.index_cast %mul3A_139 : i32 to index
        %get3A_141 = arith.constant 0 : index
        %get3A_142 = vector.load %arg2[%get3A_140, %get3A_141] : memref<20480x1xf32, #tpu.memory_space<vmem>>, vector<1024x1xf32>
        %dot_general3A = arith.constant dense<0.000000e+00> : vector<1024x1xf32>
        %dot_general3A_143 = tpu.matmul %convert_element_type3A_137, %get3A_142, %dot_general3A {dimension_numbers = #tpu.dot_dimension_numbers<[1], [0], [0], [1], [0, 0, 1, 1], [], []>, transpose_lhs_hint = false} : vector<1024x1024xf32>, vector<1024x1xf32>, vector<1024x1xf32> -> vector<1024x1xf32>
        %add3A_144 = arith.addf %while3A_91, %dot_general3A_143 : vector<1024x1xf32>
        scf.yield %add3A_144 : vector<1024x1xf32>
      }
      %while3A_36 = arith.constant 1 : i32
      %while3A_37 = scf.for %while3A_90 = %while3A_33 to %while3A_29 step %while3A_36 iter_args(%while3A_91 = %while3A_35) -> (vector<1024x1xf32>)  : i32 {
        %mul3A_92 = arith.constant 1024 : i32
        %mul3A_93 = arith.muli %while3A_90, %mul3A_92 : i32
        %get3A_94 = arith.constant 0 : index
        %get3A_95 = arith.index_cast %mul3A_93 : i32 to index
        %get3A_96 = vector.load %arg0[%get3A_94, %get3A_95] : memref<8x20480xf32, #tpu.memory_space<vmem>>, vector<1x1024xf32>
        %get3A_97 = arith.constant 1 : index
        %get3A_98 = arith.index_cast %mul3A_93 : i32 to index
        %get3A_99 = vector.load %arg0[%get3A_97, %get3A_98] : memref<8x20480xf32, #tpu.memory_space<vmem>>, vector<1x1024xf32>
        %get3A_100 = arith.constant 2 : index
        %get3A_101 = arith.index_cast %mul3A_93 : i32 to index
        %get3A_102 = vector.load %arg0[%get3A_100, %get3A_101] : memref<8x20480xf32, #tpu.memory_space<vmem>>, vector<1x1024xf32>
        %get3A_103 = arith.constant 3 : index
        %get3A_104 = arith.index_cast %mul3A_93 : i32 to index
        %get3A_105 = vector.load %arg0[%get3A_103, %get3A_104] : memref<8x20480xf32, #tpu.memory_space<vmem>>, vector<1x1024xf32>
        %sub3A_106 = arith.subf %get3A_102, %get3A_96 : vector<1x1024xf32>
        %sub3A_107 = arith.subf %get3A_105, %get3A_99 : vector<1x1024xf32>
        %mul3A_108 = arith.mulf %sub3A_106, %sub3A_107 : vector<1x1024xf32>
        %min3A_109 = vector.broadcast %get3A_102 : vector<1x1024xf32> to vector<1024x1024xf32>
        %min3A_110 = arith.minimumf %broadcast_in_dim3A_18, %min3A_109 : vector<1024x1024xf32>
        %max3A_111 = vector.broadcast %get3A_96 : vector<1x1024xf32> to vector<1024x1024xf32>
        %max3A_112 = arith.maximumf %broadcast_in_dim3A_8, %max3A_111 : vector<1024x1024xf32>
        %sub3A_113 = arith.subf %min3A_110, %max3A_112 : vector<1024x1024xf32>
        %max3A_114 = arith.constant 0.000000e+00 : f32
        %max3A_115 = vector.broadcast %max3A_114 : f32 to vector<1024x1024xf32>
        %max3A_116 = arith.maximumf %sub3A_113, %max3A_115 : vector<1024x1024xf32>
        %min3A_117 = vector.broadcast %get3A_105 : vector<1x1024xf32> to vector<1024x1024xf32>
        %min3A_118 = arith.minimumf %broadcast_in_dim3A_23, %min3A_117 : vector<1024x1024xf32>
        %max3A_119 = vector.broadcast %get3A_99 : vector<1x1024xf32> to vector<1024x1024xf32>
        %max3A_120 = arith.maximumf %broadcast_in_dim3A_13, %max3A_119 : vector<1024x1024xf32>
        %sub3A_121 = arith.subf %min3A_118, %max3A_120 : vector<1024x1024xf32>
        %max3A_122 = arith.constant 0.000000e+00 : f32
        %max3A_123 = vector.broadcast %max3A_122 : f32 to vector<1024x1024xf32>
        %max3A_124 = arith.maximumf %sub3A_121, %max3A_123 : vector<1024x1024xf32>
        %mul3A_125 = arith.mulf %max3A_116, %max3A_124 : vector<1024x1024xf32>
        %add3A_126 = vector.broadcast %mul3A_108 : vector<1x1024xf32> to vector<1024x1024xf32>
        %add3A_127 = arith.addf %mul3A_25, %add3A_126 : vector<1024x1024xf32>
        %sub3A_128 = arith.subf %add3A_127, %mul3A_125 : vector<1024x1024xf32>
        %add3A_129 = arith.constant 9.99999993E-9 : f32
        %add3A_130 = vector.broadcast %add3A_129 : f32 to vector<1024x1024xf32>
        %add3A_131 = arith.addf %sub3A_128, %add3A_130 : vector<1024x1024xf32>
        %div3A_132 = arith.divf %mul3A_125, %add3A_131 : vector<1024x1024xf32>
        %gt3A_133 = arith.constant 5.000000e-01 : f32
        %gt3A_134 = vector.broadcast %gt3A_133 : f32 to vector<1024x1024xf32>
        %gt3A_135 = arith.cmpf ogt, %div3A_132, %gt3A_134 : vector<1024x1024xf32>
        %convert_element_type3A_136 = arith.extui %gt3A_135 : vector<1024x1024xi1> to vector<1024x1024xi32>
        %convert_element_type3A_137 = arith.sitofp %convert_element_type3A_136 : vector<1024x1024xi32> to vector<1024x1024xf32>
        %mul3A_138 = arith.constant 1024 : i32
        %mul3A_139 = arith.muli %while3A_90, %mul3A_138 : i32
        %get3A_140 = arith.index_cast %mul3A_139 : i32 to index
        %get3A_141 = arith.constant 0 : index
        %get3A_142 = vector.load %arg2[%get3A_140, %get3A_141] : memref<20480x1xf32, #tpu.memory_space<vmem>>, vector<1024x1xf32>
        %dot_general3A = arith.constant dense<0.000000e+00> : vector<1024x1xf32>
        %dot_general3A_143 = tpu.matmul %convert_element_type3A_137, %get3A_142, %dot_general3A {dimension_numbers = #tpu.dot_dimension_numbers<[1], [0], [0], [1], [0, 0, 1, 1], [], []>, transpose_lhs_hint = false} : vector<1024x1024xf32>, vector<1024x1xf32>, vector<1024x1xf32> -> vector<1024x1xf32>
        %add3A_144 = arith.addf %while3A_91, %dot_general3A_143 : vector<1024x1xf32>
        scf.yield %add3A_144 : vector<1024x1xf32>
      }
      %lt3A = arith.constant 5.000000e-01 : f32
      %lt3A_38 = vector.broadcast %lt3A : f32 to vector<1024x1xf32>
      %lt3A_39 = arith.cmpf olt, %while3A_37, %lt3A_38 : vector<1024x1xf32>
      %convert_element_type3A = arith.extui %lt3A_39 : vector<1024x1xi1> to vector<1024x1xi32>
      %convert_element_type3A_40 = arith.sitofp %convert_element_type3A : vector<1024x1xi32> to vector<1024x1xf32>
      %get3A_41 = arith.constant 0 : index
      %get3A_42 = arith.index_cast %mul3A_5 : i32 to index
      %get3A_43 = vector.load %arg0[%get3A_41, %get3A_42] : memref<8x20480xf32, #tpu.memory_space<vmem>>, vector<1x1024xf32>
      %get3A_44 = arith.constant 1 : index
      %get3A_45 = arith.index_cast %mul3A_5 : i32 to index
      %get3A_46 = vector.load %arg0[%get3A_44, %get3A_45] : memref<8x20480xf32, #tpu.memory_space<vmem>>, vector<1x1024xf32>
      %get3A_47 = arith.constant 2 : index
      %get3A_48 = arith.index_cast %mul3A_5 : i32 to index
      %get3A_49 = vector.load %arg0[%get3A_47, %get3A_48] : memref<8x20480xf32, #tpu.memory_space<vmem>>, vector<1x1024xf32>
      %get3A_50 = arith.constant 3 : index
      %get3A_51 = arith.index_cast %mul3A_5 : i32 to index
      %get3A_52 = vector.load %arg0[%get3A_50, %get3A_51] : memref<8x20480xf32, #tpu.memory_space<vmem>>, vector<1x1024xf32>
      %sub3A_53 = arith.subf %get3A_49, %get3A_43 : vector<1x1024xf32>
      %sub3A_54 = arith.subf %get3A_52, %get3A_46 : vector<1x1024xf32>
      %mul3A_55 = arith.mulf %sub3A_53, %sub3A_54 : vector<1x1024xf32>
      %min3A = vector.broadcast %get3A_49 : vector<1x1024xf32> to vector<1024x1024xf32>
      %min3A_56 = arith.minimumf %broadcast_in_dim3A_18, %min3A : vector<1024x1024xf32>
      %max3A = vector.broadcast %get3A_43 : vector<1x1024xf32> to vector<1024x1024xf32>
      %max3A_57 = arith.maximumf %broadcast_in_dim3A_8, %max3A : vector<1024x1024xf32>
      %sub3A_58 = arith.subf %min3A_56, %max3A_57 : vector<1024x1024xf32>
      %max3A_59 = arith.constant 0.000000e+00 : f32
      %max3A_60 = vector.broadcast %max3A_59 : f32 to vector<1024x1024xf32>
      %max3A_61 = arith.maximumf %sub3A_58, %max3A_60 : vector<1024x1024xf32>
      %min3A_62 = vector.broadcast %get3A_52 : vector<1x1024xf32> to vector<1024x1024xf32>
      %min3A_63 = arith.minimumf %broadcast_in_dim3A_23, %min3A_62 : vector<1024x1024xf32>
      %max3A_64 = vector.broadcast %get3A_46 : vector<1x1024xf32> to vector<1024x1024xf32>
      %max3A_65 = arith.maximumf %broadcast_in_dim3A_13, %max3A_64 : vector<1024x1024xf32>
      %sub3A_66 = arith.subf %min3A_63, %max3A_65 : vector<1024x1024xf32>
      %max3A_67 = arith.constant 0.000000e+00 : f32
      %max3A_68 = vector.broadcast %max3A_67 : f32 to vector<1024x1024xf32>
      %max3A_69 = arith.maximumf %sub3A_66, %max3A_68 : vector<1024x1024xf32>
      %mul3A_70 = arith.mulf %max3A_61, %max3A_69 : vector<1024x1024xf32>
      %add3A = vector.broadcast %mul3A_55 : vector<1x1024xf32> to vector<1024x1024xf32>
      %add3A_71 = arith.addf %mul3A_25, %add3A : vector<1024x1024xf32>
      %sub3A_72 = arith.subf %add3A_71, %mul3A_70 : vector<1024x1024xf32>
      %add3A_73 = arith.constant 9.99999993E-9 : f32
      %add3A_74 = vector.broadcast %add3A_73 : f32 to vector<1024x1024xf32>
      %add3A_75 = arith.addf %sub3A_72, %add3A_74 : vector<1024x1024xf32>
      %div3A = arith.divf %mul3A_70, %add3A_75 : vector<1024x1024xf32>
      %gt3A = arith.constant 5.000000e-01 : f32
      %gt3A_76 = vector.broadcast %gt3A : f32 to vector<1024x1024xf32>
      %gt3A_77 = arith.cmpf ogt, %div3A, %gt3A_76 : vector<1024x1024xf32>
      %convert_element_type3A_78 = arith.extui %gt3A_77 : vector<1024x1024xi1> to vector<1024x1024xi32>
      %convert_element_type3A_79 = arith.sitofp %convert_element_type3A_78 : vector<1024x1024xi32> to vector<1024x1024xf32>
      %iota3A = tpu.iota {dimensions = array<i32: 0>} : vector<1024x1024xi32>
      %iota3A_80 = tpu.iota {dimensions = array<i32: 1>} : vector<1024x1024xi32>
      %lt3A_81 = arith.cmpi slt, %iota3A_80, %iota3A : vector<1024x1024xi32>
      %convert_element_type3A_82 = arith.extui %lt3A_81 : vector<1024x1024xi1> to vector<1024x1024xi32>
      %convert_element_type3A_83 = arith.sitofp %convert_element_type3A_82 : vector<1024x1024xi32> to vector<1024x1024xf32>
      %mul3A_84 = arith.mulf %convert_element_type3A_79, %convert_element_type3A_83 : vector<1024x1024xf32>
      %while3A_85 = arith.constant 0 : i32
      %while3A_86 = arith.constant true
      %while3A_87:3 = scf.while (%while3A_90 = %while3A_85, %while3A_91 = %convert_element_type3A_40, %while3A_92 = %while3A_86) : (i32, vector<1024x1xf32>, i1) -> (i32, vector<1024x1xf32>, i1) {
        %lt3A_93 = arith.constant 1024 : i32
        %lt3A_94 = arith.cmpi slt, %while3A_90, %lt3A_93 : i32
        %and3A = arith.andi %while3A_92, %lt3A_94 : i1
        scf.condition(%and3A) %while3A_90, %while3A_91, %while3A_92 : i32, vector<1024x1xf32>, i1
      } do {
      ^bb0(%while3A_90: i32, %while3A_91: vector<1024x1xf32>, %while3A_92: i1):
        %dot_general3A = arith.constant dense<0.000000e+00> : vector<1024x1xf32>
        %dot_general3A_93 = tpu.matmul %mul3A_84, %while3A_91, %dot_general3A {dimension_numbers = #tpu.dot_dimension_numbers<[1], [0], [0], [1], [0, 0, 1, 1], [], []>, transpose_lhs_hint = false} : vector<1024x1024xf32>, vector<1024x1xf32>, vector<1024x1xf32> -> vector<1024x1xf32>
        %gt3A_94 = arith.constant 5.000000e-01 : f32
        %gt3A_95 = vector.broadcast %gt3A_94 : f32 to vector<1024x1xf32>
        %gt3A_96 = arith.cmpf ogt, %dot_general3A_93, %gt3A_95 : vector<1024x1xf32>
        %jit3A = arith.constant 0.000000e+00 : f32
        %broadcast_in_dim3A_97 = vector.broadcast %jit3A : f32 to vector<1024x1xf32>
        %select_n3A = arith.select %gt3A_96, %broadcast_in_dim3A_97, %convert_element_type3A_40 : vector<1024x1xi1>, vector<1024x1xf32>
        %add3A_98 = arith.constant 1 : i32
        %add3A_99 = arith.addi %while3A_90, %add3A_98 : i32
        %ne3A = arith.cmpf one, %select_n3A, %while3A_91 : vector<1024x1xf32>
        %reduce_or3A = arith.constant 1.000000e+00 : f32
        %reduce_or3A_100 = arith.constant 0.000000e+00 : f32
        %reduce_or3A_101 = vector.broadcast %reduce_or3A : f32 to vector<1024x1xf32>
        %reduce_or3A_102 = vector.broadcast %reduce_or3A_100 : f32 to vector<1024x1xf32>
        %reduce_or3A_103 = arith.select %ne3A, %reduce_or3A_101, %reduce_or3A_102 : vector<1024x1xi1>, vector<1024x1xf32>
        %reduce_or3A_104 = vector.shape_cast %reduce_or3A_103 : vector<1024x1xf32> to vector<1x1024x1xf32>
        %reduce_or3A_105 = arith.constant dense<0xFF800000> : vector<1xf32>
        %reduce_or3A_106 = vector.multi_reduction <maximumf>, %reduce_or3A_104, %reduce_or3A_105 [1, 2] : vector<1x1024x1xf32> to vector<1xf32>
        %reduce_or3A_107 = vector.shape_cast %reduce_or3A_106 : vector<1xf32> to vector<1x1x1xf32>
        %reduce_or3A_108 = vector.extract %reduce_or3A_107[0, 0, 0] : f32 from vector<1x1x1xf32>
        %reduce_or3A_109 = arith.constant 0.000000e+00 : f32
        %reduce_or3A_110 = arith.cmpf ogt, %reduce_or3A_108, %reduce_or3A_109 : f32
        scf.yield %add3A_99, %select_n3A, %reduce_or3A_110 : i32, vector<1024x1xf32>, i1
      }
      %swap3A = arith.index_cast %mul3A_5 : i32 to index
      %swap3A_88 = arith.constant 0 : index
      %swap3A_89 = vector.load %arg2[%swap3A, %swap3A_88] : memref<20480x1xf32, #tpu.memory_space<vmem>>, vector<1024x1xf32>
      tpu.vector_store %arg2[%swap3A, %swap3A_88], %while3A_87#1 {strides = array<i32>} : memref<20480x1xf32, #tpu.memory_space<vmem>>, vector<1024x1xf32>,
    }
    %scan3A_3 = arith.constant 20 : i32
    return
  }
}

</mosaic_0001>

<sc_bundles>
// kernel: kernel.4.cloned.1.call-start
scs
__scs_entry_jumppad:
0x0: {  	(pc) =	sbr.rel $0x88, $3  }
0x1: {  	(tag) =	ssettag $0x0;
	lr =	simm.s32 $0x1  }
0x2: {  	[smem:$0x3F9F] =	sst lr;
	_ =	strace $0xD0000000  }
0x3: {  	_ = 	snop  }
0x4: {  	_ = 	snop  }
0x5: {  	_ = 	snop  }
0x6: {  	_ = 	snop  }
0x7: {  	_ = 	snop  }
__scs_overlays_trampoline_lowered:
0x8: {  	[smem:$0x3FAE] =	sst s0  }
0x9: {  	[smem:$0x3FAF] =	sst s1  }
0xa: {  	[smem:$0x3FB0] =	sst s2  }
0xb: {  	[smem:$0x3FB1] =	sst s3  }
0xc: {  	[smem:$0x3FB2] =	sst s4  }
0xd: {  	[smem:$0x3FB3] =	sst s5  }
0xe: {  	[smem:$0x3FB4] =	sst s6  }
0xf: {  	[smem:$0x3FB5] =	sst s7  }
0x10: {  	[smem:$0x3FB6] =	sst s8  }
0x11: {  	[smem:$0x3FB7] =	sst s9;
	s0 =	simm.s32 @!p0 $0x0  }
0x12: {  	s1 =	sld [smem:$0x3F9D];
	s0 =	simm.s32 @p0 $0x1  }
0x13: {  	[smem:$0x3FB8] =	sst s0;
	s0 =	simm.s32 @!p1 $0x0  }
0x14: {  	s2 =	sld [smem:$0x3F9C];
	s0 =	simm.s32 @p1 $0x1  }
0x15: {  	[smem:$0x3FB9] =	sst s0;
	s0 =	simm.s32 @!p2 $0x0  }
0x16: {  	s3 =	sld [smem:$0x3FDB];
	s0 =	simm.s32 @p2 $0x1  }
0x17: {  	s4 =	simm.s32 $0x1BF5;
	[smem:$0x3FBB] =	sst s0  }
0x18: {  	s0 =	sld [smem:$0x3F9E];
	_ =	swait.ge [sflag:s4], $0x0  }
0x19: {  	s7 =	sld [smem:$0x3F9F]  }
0x1a: {  	s8 =	sadd.s32 $0xFFFFE003, lr  }
0x1b: {  	s9 =	sadd.s32 $0xFFFFFEF7, lr;
	s5 =	simm.s32 $0xFFFFFFFF;
	p2 =	slt.u32 s8, $0xFFFFF086  }
0x1c: {  	p1 =	slt.u32 s9, $0xF7A;
	s5 =	simm.s32 @!p2 $0x0  }
0x1d: {  	s5 =	simm.s32 @p1 $0x1;
	p0 =	seq.s32 s7, s2  }
0x1e: {  	s7 =	smul.u32 @!p0 $0xF7A, s2;
	p2 =	seq.s32 @!p0 s5, $0x0  }
0x1f: {  	s9 =	smul.u32 $0xF7A, s1;
	s8 =	simm.s32 @!p0 $0x1BF5;
	p2 =	por !p2, p0  }
0x20: {  	[sflag:s8] =	ssyncset.s32 @!p0 $0xFFFFF086;
	s6 =	sadd.s32 @!p0 s3, s7;
	s7 =	simm.s32 @!p0 $0x108  }
0x21: {  	s3 =	sadd.s32 s3, s9;
	s6 =	sadd.s32 @!p0 $0x88, s6;
	s7 =	simm.s32 @p2 $0x1082  }
0x22: {  	[simem:s7], [sflag:s8] =	dma.local @!p0 [hbm:s6], $0xF7A  }
0x23: {  	s9 =	sor.u32 $0xD0000000, s2;
	s6 =	simm.s32 $0x108;
	_ =	swait.ge @!p0 [sflag:s8], $0x0  }
0x24: {  	s3 =	sadd.s32 $0x88, s3;
	s6 =	simm.s32 @!p1 $0x1082;
	[sflag:s4] =	ssyncset.s32 $0xFFFFF086  }
0x25: {  	[simem:s6], [sflag:s4] =	dma.local [hbm:s3], $0xF7A  }
0x26: {  	[smem:$0x3F9F] =	sst s1;
	(tag) =	ssettag s2;
	_ =	strace s9  }
0x27: {  	s1 =	sld [smem:$0x3FAF]  }
0x28: {  	s2 =	sld [smem:$0x3FB0]  }
0x29: {  	s4 =	sld [smem:$0x3FB2]  }
0x2a: {  	p0 =	seq.s32 s5, $0x0;
	s5 =	sld [smem:$0x3FB3]  }
0x2b: {  	s6 =	sld [smem:$0x3FB4]  }
0x2c: {  	s7 =	sld [smem:$0x3FB5]  }
0x2d: {  	s3 =	simm.s32 $0x108;
	s8 =	sld [smem:$0x3FB6]  }
0x2e: {  	s3 =	simm.s32 @!p0 $0x1082;
	s9 =	sld [smem:$0x3FB7]  }
0x2f: {  	lr =	sadd.s32 s0, s3;
	s0 =	sld [smem:$0x3FAE]  }
0x30: {  	s3 =	sld [smem:$0x3FB1]  }
0x31: {  	[smem:$0x3FBA] =	sst s10  }
0x32: {  	s10 =	sld [smem:$0x3FB8];
	_ =	sdelay $0x3  }
0x33: {  	p0 =	seq.s32 s10, $0x1;
	s10 =	sld [smem:$0x3FBA];
	_ =	sdelay $0x3  }
0x34: {  	[smem:$0x3FBA] =	sst s10  }
0x35: {  	s10 =	sld [smem:$0x3FB9];
	_ =	sdelay $0x3  }
0x36: {  	p1 =	seq.s32 s10, $0x1;
	s10 =	sld [smem:$0x3FBA];
	_ =	sdelay $0x3  }
0x37: {  	[smem:$0x3FBA] =	sst s10  }
0x38: {  	s10 =	sld [smem:$0x3FBB]  }
0x39: {  	_ = 	snop;
	(pc) =	sbr.ind lr, $3  }
0x3a: {  	_ = 	snop  }
0x3b: {  	_ = 	snop  }
0x3c: {  	p2 =	seq.s32 s10, $0x1;
	s10 =	sld [smem:$0x3FBA]  }
0x3d: {  	_ =	shalt  }
0x3e: {  	_ =	shalt  }
0x3f: {  	_ =	shalt  }
0x40: {  	_ =	shalt  }
0x41: {  	_ =	shalt  }
0x42: {  	_ =	shalt  }
0x43: {  	_ =	shalt  }
0x44: {  	_ =	shalt  }
0x45: {  	_ =	shalt  }
0x46: {  	_ =	shalt  }
0x47: {  	_ =	shalt  }
0x48: {  	_ =	shalt  }
0x49: {  	_ =	shalt  }
0x4a: {  	_ =	shalt  }
0x4b: {  	_ =	shalt  }
0x4c: {  	_ =	shalt  }
0x4d: {  	_ =	shalt  }
0x4e: {  	_ =	shalt  }
0x4f: {  	_ =	shalt  }
0x50: {  	_ =	shalt  }
0x51: {  	_ =	shalt  }
0x52: {  	_ =	shalt  }
0x53: {  	_ =	shalt  }
0x54: {  	_ =	shalt  }
0x55: {  	_ =	shalt  }
0x56: {  	_ =	shalt  }
0x57: {  	_ =	shalt  }
0x58: {  	_ =	shalt  }
0x59: {  	_ =	shalt  }
0x5a: {  	_ =	shalt  }
0x5b: {  	_ =	shalt  }
0x5c: {  	_ =	shalt  }
0x5d: {  	_ =	shalt  }
0x5e: {  	_ =	shalt  }
0x5f: {  	_ =	shalt  }
0x60: {  	_ =	shalt  }
0x61: {  	_ =	shalt  }
0x62: {  	_ =	shalt  }
0x63: {  	_ =	shalt  }
0x64: {  	_ =	shalt  }
0x65: {  	_ =	shalt  }
0x66: {  	_ =	shalt  }
0x67: {  	_ =	shalt  }
0x68: {  	_ =	shalt  }
0x69: {  	_ =	shalt  }
0x6a: {  	_ =	shalt  }
0x6b: {  	_ =	shalt  }
0x6c: {  	_ =	shalt  }
0x6d: {  	_ =	shalt  }
0x6e: {  	_ =	shalt  }
0x6f: {  	_ =	shalt  }
0x70: {  	_ =	shalt  }
0x71: {  	_ =	shalt  }
0x72: {  	_ =	shalt  }
0x73: {  	_ =	shalt  }
0x74: {  	_ =	shalt  }
0x75: {  	_ =	shalt  }
0x76: {  	_ =	shalt  }
0x77: {  	_ =	shalt  }
0x78: {  	_ =	shalt  }
0x79: {  	_ =	shalt  }
0x7a: {  	_ =	shalt  }
0x7b: {  	_ =	shalt  }
0x7c: {  	_ =	shalt  }
0x7d: {  	_ =	shalt  }
0x7e: {  	_ =	shalt  }
0x7f: {  	_ =	shalt  }
0x80: {  	_ =	shalt  }
0x81: {  	_ =	shalt  }
0x82: {  	_ =	shalt  }
0x83: {  	_ =	shalt  }
0x84: {  	_ =	shalt  }
0x85: {  	_ =	shalt  }
0x86: {  	_ =	shalt  }
0x87: {  	_ =	shalt  }
.Lfunc_end0:
.L_simem_size_0:
called_computation_lowered:
.L_overlay_start_0:
0x88: {  	s2 =	sld [smem:$0x3FD9]  }
0x89: {  	s3 =	sld [smem:$0x3FFE];
	_ =	sdelay $0x1  }
0x8a: {  	s1 =	srdreg.scid  }
0x8b: {  	s0 =	sand.u32 $0x1, s1  }
0x8c: {  	s14 =	sshll.u32 s0, $0xA;
	s2 =	sadd.s32 s3, s2  }
0x8d: {  	s2 =	sadd.s32 s2, s14  }
0x8e: {  	[smem:$0x3FC6] =	sst s2  }
0x8f: {  	_ = 	snop  }
0x90: {  	s2 =	sld [smem:$0x3FD0];
	_ =	sdelay $0x2  }
0x91: {  	s15 =	simm.s32 $0xA;
	s4 =	simm.s32 $0x10  }
0x92: {  	[smem:s4], [sflag:s15] =	dma.local [hbm:s2], $0x1  }
0x93: {  	_ =	swait.eq [sflag:s15], $0x1  }
0x94: {  	[sflag:s15] =	ssyncset.done $0x0  }
0x95: {  	[sflag:s15] =	ssyncadd.s32 $0xFFFFFFFF  }
0x96: {  	s16 =	sld [smem:$0x11];
	(tm) =	ssettm $0x1  }
0x97: {  	s17 =	sld [smem:$0x3FFB];
	_ =	sdelay $0x3  }
0x98: {  	_ =	strace s17  }
0x99: {  	s3 =	sld [smem:$0x3FFC];
	_ =	sdelay $0x3  }
0x9a: {  	_ =	strace s3  }
0x9b: {  	s3 =	sld [smem:$0x3FFD];
	_ =	sdelay $0x3  }
0x9c: {  	_ =	strace s3  }
0x9d: {  	_ =	strace $0x8FFFFFFF  }
0x9e: {  	s18 =	sld [smem:$0x3FDB];
	_ =	sdelay $0x1  }
0x9f: {  	s19 =	simm.s32 $_scs_section_size  }
0xa0: {  	s5 =	simm.s32 $_size__tile_overlayer_lowered;
	s6 =	simm.s32 $_tile_overlayer_lowered  }
0xa1: {  	s22 =	simm.s32 $0x1BFF;
	s21 =	sshll.u32 s6, $0x1;
	s3 =	sadd.s32 s19, s18  }
0xa2: {  	s7 =	simm.s32 $0x0;
	s20 =	sshll.u32 s5, $0x1;
	s5 =	sadd.s32 s21, s3  }
0xa3: {  	[timem:s7], [sflag:s22] =	dma.local [hbm:s5], s20  }
0xa4: {  	_ =	swait.ge [sflag:s22], s20  }
0xa5: {  	s4 =	ssub.s32 $0x0, s20;
	[sflag:s22] =	ssyncset.done $0x0  }
0xa6: {  	[sflag:s22] =	ssyncadd.s32 s4;
	_ =	sdelay $0x1  }
0xa7: {  	s23 =	simm.s32 $0x1B8B  }
0xa8: {  	_ =	swait.ge [sflag:s23], $0x1  }
0xa9: {  	[sflag:s23] =	ssyncset.done $0x0  }
0xaa: {  	s25 =	simm.s32 $0x1B8E;
	s24 =	sld [smem:$0x3FFE];
	[sflag:s23] =	ssyncadd.s32 $0xFFFFFFFF  }
0xab: {  	s26 =	simm.s32 $execute0_lowered;
	[smem:$0x3FD2] =	sst s25  }
0xac: {  	s5 =	sshll.u32 s26, $0x1;
	_ =	strace $0x80000046;
	[dreg:$0x1] =	wrdreg $0xFFFFFFFF  }
0xad: {  	s28 =	simm.s32 $_size_execute0_lowered;
	s3 =	sadd.s32 s3, s5;
	[dreg:$0x0] =	wrdreg $0x0  }
0xae: {  	s5 =	sshll.u32 s28, $0x1;
	[dreg:$0x2] =	wrdreg s3  }
0xaf: {  	[dreg:$0x3] =	wrdreg s5  }
0xb0: {  	[dreg:$0x4] =	wrdreg $0xC0  }
0xb1: {  	_ =	task [dreg:s7], $0x5FFFF  }
0xb2: {  	[dreg:$0x1] =	wrdreg $0xFFFFFFFF  }
0xb3: {  	[dreg:$0x0] =	wrdreg $0x60  }
0xb4: {  	[dreg:$0x2] =	wrdreg s24  }
0xb5: {  	[dreg:$0x3] =	wrdreg s16  }
0xb6: {  	[dreg:$0x4] =	wrdreg $0x10000  }
0xb7: {  	[dreg:$0x5] =	wrdreg $0x9  }
0xb8: {  	_ =	task.clear_ibuf [dreg:s7], $0x6FFFF;
	_ =	strace $0x90000046  }
0xb9: {  	s29 =	simm.s32 $0x9;
	_ =	strace $0x80000048  }
0xba: {  	_ =	swait.ge [sflag:s29], $0x1  }
0xbb: {  	[sflag:s29] =	ssyncadd.s32 $0xFFFFFFFF  }
0xbc: {  	_ =	strace $0x90000048  }
0xbd: {  	_ =	sfence  }
0xbe: {  	s30 =	sld [smem:$0x0];
	_ =	sdelay $0x2  }
0xbf: {  	s31 =	sshll.u32 s1, $0xD;
	s1 =	sshrl.u32 s1, $0x2  }
0xc0: {  	s3 =	sand.u32 $0x4000, s31;
	s1 =	sadd.s32 s1, s30  }
0xc1: {  	s0 =	sor.u32 s3, s0;
	s1 =	sshll.u32 s1, $0x11  }
0xc2: {  	s0 =	sor.u32 s1, s0  }
0xc3: {  	s0 =	sadd.s32 $0x8F2B, s0  }
0xc4: {  	[sflag:s0] =	ssyncadd.remote.s32 $0x1  }
0xc5: {  	_ =	sfence.sel $0xFFFF  }
0xc6: {  	[dreg:$0x0] =	wrdreg $0xFFFFFFFF;
	(pc) =	sbr.abs _section_cstart, $3  }
0xc7: {  	[dreg:$0x1] =	wrdreg $0xFFFFFFFF  }
0xc8: {  	_ =	task.clear_ibuf [dreg:s7], $0x2FFFF;
	_ =	strace $0x9FFFFFFF  }
0xc9: {  	(tm) =	ssettm $0x7FFFFFFF  }
tec
execute0_lowered:
.L_overlay_start_1:
0x0: {  	(tag) =	ssettag $0x1  }
0x1: {  	s1 =	srdreg.scid  }
0x2: {  	s1 =	sand.u32 $0x1, s1  }
0x3: {  	p0 =	seq.s32 s1, $0x1  }
.Ltmp0:
0x4: {  	s3 =	rddreg [dreg:$0x0];
	(pc) =	sbr.rel @p0 .LBB2_4-.Ltmp0, $4  }
0x5: {  	s2 =	rddreg [dreg:$0x1]  }
0x6: {  	s5 =	rddreg [dreg:$0x2];
	s4 =	simm.s32 $0x0  }
0x7: {  	[smem:$0x7FF] =	sst s4  }
0x8: {  	s0 =	rddreg [dreg:$0x3];
	_ =	strace $0x80000047;
	s1 =	stileid.u32  }
0x9: {  	s6 =	sadd.s32 $0x1A00, s3;
	s7 =	sshll.u32 s1, $0x8  }
0xa: {  	s6 =	sadd.s32 s6, s7  }
0xb: {  	[tilespmem:s4], [sflag:$0x1] =	stream.linear.gather [hbm4b:s6+s4], $0x500, $0x38;
	[tilespmem:$0x2400] =	vst v63  }
0xc: {  	s6 =	simm.s32 $0x1  }
0xd: {  	_ =	swait.ge [sflag:s6], $0x500  }
0xe: {  	s8 =	sadd.s32 $0xA00, s3;
	[sflag:s6] =	ssyncset.done $0x0  }
0xf: {  	s30 =	simm.s32 $0x800;
	s7 =	sadd.s32 s8, s7;
	[sflag:s6] =	ssyncadd.s32 $0xFFFFFB00  }
0x10: {  	[tilespmem:s30], [sflag:$0x1] =	stream.linear.gather [hbm4b:s7+s4], $0x500, $0x38;
	[tilespmem:$0x2400] =	vst v63  }
0x11: {  	_ =	swait.ge [sflag:s6], $0x500  }
0x12: {  	[sflag:s6] =	ssyncset.done $0x0  }
0x13: {  	s31 =	simm.s32 $0x80;
	[sflag:s6] =	ssyncadd.s32 $0xFFFFFB00  }
0x14: {  	[spmem:s5] =	stream.indirect.scatter [tilespmem:s30], [sflag:$0x1], $0x1, s4, s31, $0xb8;
	[tilespmem:$0x2400] =	vst v63  }
0x15: {  	_ =	swait.ge [sflag:s6], $0x80  }
0x16: {  	[sflag:s6] =	ssyncset.done $0x0  }
0x17: {  	s9 =	simm.s32 $0x880;
	[sflag:s6] =	ssyncadd.s32 $0xFFFFFF80  }
0x18: {  	[spmem:s5] =	stream.indirect.scatter [tilespmem:s9], [sflag:$0x1], $0x1, s31, s31, $0xb8;
	[tilespmem:$0x2400] =	vst v63  }
0x19: {  	_ =	swait.ge [sflag:s6], $0x80  }
0x1a: {  	[sflag:s6] =	ssyncset.done $0x0  }
0x1b: {  	s10 =	simm.s32 $0x100;
	s9 =	simm.s32 $0x900;
	[sflag:s6] =	ssyncadd.s32 $0xFFFFFF80  }
0x1c: {  	[spmem:s5] =	stream.indirect.scatter [tilespmem:s9], [sflag:$0x1], $0x1, s10, s31, $0xb8;
	[tilespmem:$0x2400] =	vst v63  }
0x1d: {  	_ =	swait.ge [sflag:s6], $0x80  }
0x1e: {  	[sflag:s6] =	ssyncset.done $0x0  }
0x1f: {  	s11 =	simm.s32 $0x180;
	s12 =	simm.s32 $0x980;
	[sflag:s6] =	ssyncadd.s32 $0xFFFFFF80  }
0x20: {  	[spmem:s5] =	stream.indirect.scatter [tilespmem:s12], [sflag:$0x1], $0x1, s11, s31, $0xb8;
	[tilespmem:$0x2400] =	vst v63  }
0x21: {  	_ =	swait.ge [sflag:s6], $0x80  }
0x22: {  	[sflag:s6] =	ssyncset.done $0x0  }
0x23: {  	s13 =	simm.s32 $0x200;
	s14 =	simm.s32 $0xA00;
	[sflag:s6] =	ssyncadd.s32 $0xFFFFFF80  }
0x24: {  	[spmem:s5] =	stream.indirect.scatter [tilespmem:s14], [sflag:$0x1], $0x1, s13, s31, $0xb8;
	[tilespmem:$0x2400] =	vst v63  }
0x25: {  	_ =	swait.ge [sflag:s6], $0x80  }
0x26: {  	[sflag:s6] =	ssyncset.done $0x0  }
0x27: {  	s15 =	simm.s32 $0x280;
	s16 =	simm.s32 $0xA80;
	[sflag:s6] =	ssyncadd.s32 $0xFFFFFF80  }
0x28: {  	[spmem:s5] =	stream.indirect.scatter [tilespmem:s16], [sflag:$0x1], $0x1, s15, s31, $0xb8;
	[tilespmem:$0x2400] =	vst v63  }
0x29: {  	_ =	swait.ge [sflag:s6], $0x80  }
0x2a: {  	[sflag:s6] =	ssyncset.done $0x0  }
0x2b: {  	s17 =	simm.s32 $0x300;
	s18 =	simm.s32 $0xB00;
	[sflag:s6] =	ssyncadd.s32 $0xFFFFFF80  }
0x2c: {  	[spmem:s5] =	stream.indirect.scatter [tilespmem:s18], [sflag:$0x1], $0x1, s17, s31, $0xb8;
	[tilespmem:$0x2400] =	vst v63  }
0x2d: {  	_ =	swait.ge [sflag:s6], $0x80  }
0x2e: {  	[sflag:s6] =	ssyncset.done $0x0  }
0x2f: {  	s19 =	simm.s32 $0x380;
	s20 =	simm.s32 $0xB80;
	[sflag:s6] =	ssyncadd.s32 $0xFFFFFF80  }
0x30: {  	[spmem:s5] =	stream.indirect.scatter [tilespmem:s20], [sflag:$0x1], $0x1, s19, s31, $0xb8;
	[tilespmem:$0x2400] =	vst v63  }
0x31: {  	_ =	swait.ge [sflag:s6], $0x80  }
0x32: {  	[sflag:s6] =	ssyncset.done $0x0  }
0x33: {  	s21 =	simm.s32 $0x400;
	s22 =	simm.s32 $0xC00;
	[sflag:s6] =	ssyncadd.s32 $0xFFFFFF80  }
0x34: {  	[spmem:s5] =	stream.indirect.scatter [tilespmem:s22], [sflag:$0x1], $0x1, s21, s31, $0xb8;
	[tilespmem:$0x2400] =	vst v63  }
0x35: {  	_ =	swait.ge [sflag:s6], $0x80  }
0x36: {  	[sflag:s6] =	ssyncset.done $0x0  }
0x37: {  	s23 =	simm.s32 $0x480;
	s24 =	simm.s32 $0xC80;
	[sflag:s6] =	ssyncadd.s32 $0xFFFFFF80  }
0x38: {  	[spmem:s5] =	stream.indirect.scatter [tilespmem:s24], [sflag:$0x1], $0x1, s23, s31, $0xb8;
	[tilespmem:$0x2400] =	vst v63  }
0x39: {  	_ =	swait.ge [sflag:s6], $0x80  }
0x3a: {  	s25 =	smul.u32 $0x500, s1;
	[sflag:s6] =	ssyncset.done $0x0  }
0x3b: {  	[sflag:s6] =	ssyncadd.s32 $0xFFFFFF80  }
0x3c: {  	s28 =	simm.s32 $0x1500;
	s26 =	sadd.s32 s25, s5;
	[bflag:$0x0] =	sbarrier.arrive $0xFFFF  }
0x3d: {  	[tilespmem:s28], [sflag:$0x1] =	stream.linear.gather [spmem:s26], $0x500, $0x38;
	[tilespmem:$0x2400] =	vst v63  }
0x3e: {  	_ =	swait.ge [sflag:s6], $0x500  }
0x3f: {  	s29 =	sshrl.u32 s25, $0x3;
	[sflag:s6] =	ssyncset.done $0x0  }
0x40: {  	s7 =	sadd.s32 s3, s29;
	s30 =	simm.s32 $0x1A00;
	[sflag:s6] =	ssyncadd.s32 $0xFFFFFB00  }
0x41: {  	[tilespmem:s30], [sflag:$0x1] =	stream.linear.gather [hbm4b:s7+s4], $0x500, $0x38;
	[tilespmem:$0x2400] =	vst v63  }
0x42: {  	_ =	swait.ge [sflag:s6], $0x500  }
0x43: {  	[sflag:s6] =	ssyncset.done $0x0  }
0x44: {  	s4 =	simm.s32 $0x0;
	[sflag:s6] =	ssyncadd.s32 $0xFFFFFB00  }
0x45: {  	s31 =	sadd.s32 s29, s3;
	v0 =	vld [tilespmem:s4+$0x1500]  }
0x46: {  	s2 =	sadd.s32 s2, s29;
	s5 =	simm.s32 $0x40;
	s3 =	sadd.s32 $0x2A00, s31;
	v1 =	vld [tilespmem:s4+$0x1A00]  }
.LBB2_2:
0x47: {  	_ = 	snop  }
0x48: {  	p0 =	sne.s32 s5, $0x13C0  }
.Ltmp1:
0x49: {  	_ = 	snop;
	(pc) =	sbr.rel @p0 .LBB2_2-.Ltmp1, $4  }
0x4a: {  	_ = 	snop  }
0x4b: {  	s6 =	sshra.s32 s5, $0x2;
	v2 =	vmul.f32 v1, v0  }
0x4c: {  	v0 =	vld [tilespmem:s6+$0x1500]  }
0x4d: {  	s5 =	sadd.s32 $0x40, s5;
	v1 =	vld [tilespmem:s6+$0x1A00];
	[tilespmem:s4+$0x1F00] =	vst v2;
	s4 =	smov.u32 s6  }
0x4e: {  	_ =	sdelay $0x3  }
0x4f: {  	v0 =	vmul.f32 v1, v0;
	_ =	sdelay $0x1  }
0x50: {  	s29 =	simm.s32 $0x0;
	s5 =	simm.s32 $0x1500;
	s30 =	simm.s32 $0x1;
	[tilespmem:s4+$0x1F00] =	vst v0  }
0x51: {  	[hbm4b:s3+s29] =	stream.linear.scatter [tilespmem:s5], [sflag:$0x1], $0x500, $0x38;
	[tilespmem:$0x2400] =	vst v63  }
0x52: {  	_ =	swait.ge [sflag:s30], $0x500  }
0x53: {  	[sflag:s30] =	ssyncset.done $0x0  }
0x54: {  	s31 =	simm.s32 $0x1F00;
	[sflag:s30] =	ssyncadd.s32 $0xFFFFFB00  }
0x55: {  	[hbm4b:s2+s29] =	stream.linear.scatter [tilespmem:s31], [sflag:$0x1], $0x500, $0x38;
	[tilespmem:$0x2400] =	vst v63  }
0x56: {  	_ =	swait.ge [sflag:s30], $0x500  }
0x57: {  	[sflag:s30] =	ssyncset.done $0x0  }
0x58: {  	[sflag:s30] =	ssyncadd.s32 $0xFFFFFB00  }
.LBB2_4:
0x59: {  	_ =	sfence.sel $0x180000  }
0x5a: {  	[bflag:$0x0] =	sbarrier.arrive $0xFFFF  }
0x5b: {  	p0 =	sne.s32 s1, $0x0;
	_ =	strace $0x90000047  }
0x5c: {  	s0 =	sadd.s32 @!p0 $0x100000, s0;
	[bflag:$0x2] =	sbarrier.arrive $0xFFFF  }
0x5d: {  	[sflag:s0] =	ssyncadd.tile.s32 @!p0 $0x1;
	_ =	shalt  }
.Lfunc_end2:
_tile_overlayer_lowered:
.L_overlay_start_2:
0x5e: {  	(tag) =	ssettag $0x2  }
0x5f: {  	s0 =	rddreg [dreg:$0x0];
	s2 =	stileid.u32  }
0x60: {  	s1 =	rddreg [dreg:$0x1];
	p0 =	sne.s32 s2, $0x0  }
0x61: {  	s3 =	rddreg [dreg:$0x2];
	[bflag:$0x3] =	sbarrier.arrive $0xFFFF;
	s2 =	simm.s32 @!p0 $0x1C01  }
0x62: {  	[timem:s3], [sflag:s2] =	dma.local @!p0 [hbm:s0], s1  }
0x63: {  	s0 =	simm.s32 @!p0 $0x1  }
0x64: {  	_ =	swait.ge @!p0 [sflag:s0], s1  }
0x65: {  	s1 =	ssub.s32 @!p0 $0x0, s1;
	[sflag:s0] =	ssyncset.done @!p0 $0x0  }
0x66: {  	[sflag:s0] =	ssyncadd.s32 @!p0 s1  }
0x67: {  	[bflag:$0x3] =	sbarrier.arrive $0xFFFF  }
0x68: {  	_ =	shalt  }

</sc_bundles>
